<compile_context>
chip_gen: v7x
topology: tpu7x:2x2x1
jax: 0.10.2.dev20260603
libtpu: 0.0.44.dev20260713+nightly
codegen_flags: <defaults>
</compile_context>

<pallas_src>
import functools

import jax
import jax.numpy as jnp
from jax import lax
from jax.experimental import pallas as pl
from jax.experimental.pallas import tpu as pltpu
from jax.experimental.pallas import tpu_sc as plsc

N_EXPERTS = 64
TOPK = 8
BLOCK_COLS = 1024
NC = 2
NS = 16
NW = NC * NS


def _score_kernel(x_ref, wt_ref, b_ref, key_ref):
    s = jnp.dot(x_ref[...], wt_ref[...], preferred_element_type=jnp.float32)
    s = s + b_ref[...]
    iota = lax.broadcasted_iota(jnp.int32, s.shape, 1)
    b = lax.bitcast_convert_type(s, jnp.int32)
    low = jnp.where(b >= 0, (N_EXPERTS - 1) - iota, iota)
    key = lax.bitcast_convert_type((b & ~(N_EXPERTS - 1)) | low, jnp.float32)
    key_ref[...] = key.T


def _unpack(key):
    b = lax.bitcast_convert_type(key, jnp.int32)
    low = b & (N_EXPERTS - 1)
    idx = jnp.where(b >= 0, (N_EXPERTS - 1) - low, low)
    val = lax.bitcast_convert_type(b & ~(N_EXPERTS - 1), jnp.float32)
    return val, idx


def _bitonic_merge(vals, descending):
    n = len(vals)
    if n == 1:
        return vals
    half = n // 2
    lo, hi = [], []
    for i in range(half):
        a, b = vals[i], vals[i + half]
        if descending:
            lo.append(jnp.maximum(a, b))
            hi.append(jnp.minimum(a, b))
        else:
            lo.append(jnp.minimum(a, b))
            hi.append(jnp.maximum(a, b))
    return (_bitonic_merge(lo, descending) + _bitonic_merge(hi, descending))


def _bitonic_sort(vals, descending):
    n = len(vals)
    if n == 1:
        return vals
    half = n // 2
    first = _bitonic_sort(vals[:half], True)
    second = _bitonic_sort(vals[half:], False)
    return _bitonic_merge(first + second, descending)


def _bitonic_sort8(vals):
    return _bitonic_sort(vals, True)


def _merge_top8(a, b):
    c = [jnp.maximum(a[i], b[TOPK - 1 - i]) for i in range(TOPK)]
    return _bitonic_merge(c, True)


def _topk_sc_kernel(keys_hbm, w_hbm, i_hbm, keys_v, w_v, i_v):
    rows = keys_hbm.shape[1] // NW
    groups = rows // 16
    wid = lax.axis_index("s") * NC + lax.axis_index("c")
    base = wid * rows
    pltpu.sync_copy(keys_hbm.at[:, pl.ds(base, rows)], keys_v)

    def body(g, carry):
        sl = pl.ds(g * 16, 16)
        cur = [keys_v[e, sl] for e in range(N_EXPERTS)]
        sorted8 = [_bitonic_sort8(cur[b * 8:(b + 1) * 8]) for b in range(8)]
        while len(sorted8) > 1:
            sorted8 = [_merge_top8(sorted8[i], sorted8[i + 1])
                       for i in range(0, len(sorted8), 2)]
        tops = sorted8[0]
        vals, idxs = zip(*(_unpack(t) for t in tops))
        es = [jnp.exp(v - vals[0]) for v in vals]
        tot = es[0]
        for k in range(1, TOPK):
            tot = tot + es[k]
        for k in range(TOPK):
            w_v[k, sl] = es[k] / tot
            i_v[k, sl] = idxs[k]
        return carry

    lax.fori_loop(0, groups, body, 0)
    pltpu.sync_copy(w_v, w_hbm.at[:, pl.ds(base, rows)])
    pltpu.sync_copy(i_v, i_hbm.at[:, pl.ds(base, rows)])


N_CHUNKS = 1


def kernel(x, weight, bias, target_dist):
    del target_dist
    n_tokens, dim = x.shape
    wt = weight.T
    b2 = bias.reshape(1, N_EXPERTS)
    chunk = n_tokens // N_CHUNKS
    grid = (chunk // BLOCK_COLS,)
    score_call = pl.pallas_call(
        _score_kernel,
        grid=grid,
        in_specs=[
            pl.BlockSpec((BLOCK_COLS, dim), lambda i: (i, 0)),
            pl.BlockSpec((dim, N_EXPERTS), lambda i: (0, 0)),
            pl.BlockSpec((1, N_EXPERTS), lambda i: (0, 0)),
        ],
        out_specs=pl.BlockSpec((N_EXPERTS, BLOCK_COLS), lambda i: (0, i)),
        out_shape=jax.ShapeDtypeStruct((N_EXPERTS, chunk), jnp.float32),
    )

    rows = chunk // NW
    sc_topk = functools.partial(
        pl.kernel,
        mesh=plsc.VectorSubcoreMesh(core_axis_name="c", subcore_axis_name="s"),
        out_type=[
            jax.ShapeDtypeStruct((TOPK, chunk), jnp.float32),
            jax.ShapeDtypeStruct((TOPK, chunk), jnp.int32),
        ],
        scratch_types=[
            pltpu.VMEM((N_EXPERTS, rows), jnp.float32),
            pltpu.VMEM((TOPK, rows), jnp.float32),
            pltpu.VMEM((TOPK, rows), jnp.int32),
        ],
    )(_topk_sc_kernel)

    parts = []
    for c in range(N_CHUNKS):
        keys_t = score_call(
            jax.lax.slice_in_dim(x, c * chunk, (c + 1) * chunk), wt, b2)
        parts.append(sc_topk(keys_t))
    w_t = jnp.concatenate([p[0] for p in parts], axis=1)
    i_t = jnp.concatenate([p[1] for p in parts], axis=1)
    return (w_t.T, i_t.T)

# --- scband reference (transcript-rebuilt; emitter-appended) ---
"""Pipeline reference for scband-gate-66030827209031 (READ-ONLY COPY).

The authoritative reference and input builder live on the scoring server;
editing this copy changes nothing except your own understanding.
"""

import jax, jax.numpy as jnp
import numpy as np

DIM = 2048
N_EXPERTS = 64
TOPK = 8
ROUTE_SCALE = 1.0
UPDATE_BIAS_RATE = 0.001
N_TOKENS = 8192


def setup_inputs(seed: int = 0) -> dict:
    key = jax.random.key(seed)
    k_x, k_w = jax.random.split(key)
    x = jax.random.normal(k_x, (N_TOKENS, DIM), dtype=jnp.float32)
    # gate weight (kaiming-uniform-like init)
    bound = float(np.sqrt(1.0 / DIM) * np.sqrt(3.0))
    weight = jax.random.uniform(k_w, (N_EXPERTS, DIM), dtype=jnp.float32, minval=-bound, maxval=bound)
    bias = jnp.zeros((N_EXPERTS,), dtype=jnp.float32)
    target_dist = jnp.full((N_EXPERTS,), 1.0 / N_EXPERTS, dtype=jnp.float32)
    return {"x": x, "weight": weight, "bias": bias, "target_dist": target_dist}


def reference(x, weight, bias, target_dist):
    # scores = F.linear(nan_to_num(x), weight) + bias
    scores = jnp.nan_to_num(x, nan=0.0) @ weight.T
    scores = scores + bias
    scores = jax.nn.softmax(scores.astype(jnp.float32), axis=-1)
    original_scores = scores
    # top-k indices
    _, indices = jax.lax.top_k(scores, TOPK)
    # gather weights at top-k indices
    weights = jnp.take_along_axis(original_scores, indices, axis=1)
    weights = weights / jnp.sum(weights, axis=-1, keepdims=True)
    weights = weights * ROUTE_SCALE
    # load-balancing bias update (no-grad side effect in torch; computed here faithfully)
    flatten_indices = indices.reshape(-1)
    flatten_weights = weights.reshape(-1)
    expert_weights_sum = jnp.zeros((N_EXPERTS,), dtype=flatten_weights.dtype).at[flatten_indices].add(flatten_weights)
    total_weights = expert_weights_sum.sum()
    expected_weights_sum = target_dist.astype(expert_weights_sum.dtype) * total_weights
    load_error = expected_weights_sum - expert_weights_sum
    new_bias = bias + UPDATE_BIAS_RATE * (load_error / total_weights)
    del new_bias  # buffer update; forward output unchanged
    return (weights.astype(x.dtype), indices)

if __name__ == "__main__":
    import jax
    _d = setup_inputs()
    print(jax.jit(kernel)(*tuple(_d.values())))

</pallas_src>

<mosaic_0001>
#map = affine_map<(d0, d1) -> (0, 0)>
module attributes {stable_mosaic.version = 14 : i64} {
  func.func @_topk_sc_kernel(%arg0: i32, %arg1: i32, %arg2: memref<64x8192xf32, #tpu.memory_space<hbm>>, %arg3: memref<8x8192xf32, #tpu.memory_space<hbm>>, %arg4: memref<8x8192xi32, #tpu.memory_space<hbm>>, %arg5: memref<64x256xf32, #tpu.memory_space<vmem>>, %arg6: memref<8x256xf32, #tpu.memory_space<vmem>>, %arg7: memref<8x256xi32, #tpu.memory_space<vmem>>) attributes {dimension_semantics = [#tpu.dimension_semantics<core_parallel>, #tpu.dimension_semantics<subcore_parallel>], iteration_bounds = array<i64: 2, 16>, scalar_prefetch = 0 : i64, scratch_operands = 3 : i64, tpu.core_type = #tpu.core_type<sc_vector_subcore>, window_params = [{transform_indices = #map}, {transform_indices = #map}, {transform_indices = #map}]} {
    %mul3A = arith.constant 2 : i32
    %mul3A_0 = arith.muli %arg1, %mul3A : i32
    %add3A = arith.addi %mul3A_0, %arg0 : i32
    %mul3A_1 = arith.constant 256 : i32
    %mul3A_2 = arith.muli %add3A, %mul3A_1 : i32
    "tpu.region"() ({
      %run_scoped3A = tpu.sem_alloc : memref<!tpu.dma_semaphore, #tpu.memory_space<semaphore_mem>>
      %dma_start3A = arith.constant 0 : i32
      %dma_start3A_8 = tpu.memref_slice %arg2[%dma_start3A, %mul3A_2] : memref<64x8192xf32, #tpu.memory_space<hbm>> -> memref<64x256xf32, #tpu.memory_space<hbm>>
      %dma_start3A_9 = arith.constant 0 : i32
      %dma_start3A_10 = tpu.memref_slice %arg2[%dma_start3A_9, %mul3A_2] : memref<64x8192xf32, #tpu.memory_space<hbm>> -> memref<64x256xf32, #tpu.memory_space<hbm>>
      tpu.enqueue_dma source(%dma_start3A_10 : memref<64x256xf32, #tpu.memory_space<hbm>>) target(%arg5 : memref<64x256xf32, #tpu.memory_space<vmem>>) target_semaphore(%run_scoped3A : memref<!tpu.dma_semaphore, #tpu.memory_space<semaphore_mem>>)
      %dma_wait3A = arith.constant 0 : i32
      %dma_wait3A_11 = tpu.memref_slice %arg2[%dma_wait3A, %mul3A_2] : memref<64x8192xf32, #tpu.memory_space<hbm>> -> memref<64x256xf32, #tpu.memory_space<hbm>>
      %dma_wait3A_12 = arith.constant 0 : i32
      %dma_wait3A_13 = tpu.memref_slice %arg2[%dma_wait3A_12, %mul3A_2] : memref<64x8192xf32, #tpu.memory_space<hbm>> -> memref<64x256xf32, #tpu.memory_space<hbm>>
      tpu.wait_dma2 semaphore(%run_scoped3A : memref<!tpu.dma_semaphore, #tpu.memory_space<semaphore_mem>>) src(%dma_wait3A_13 : memref<64x256xf32, #tpu.memory_space<hbm>>) dst(%arg5 : memref<64x256xf32, #tpu.memory_space<vmem>>)
      tpu.yield
    }) : () -> ()
    %scan3A = arith.constant 0 : i32
    %scan3A_3 = arith.constant 0 : i32
    %scan3A_4 = arith.constant 16 : i32
    %scan3A_5 = arith.addi %scan3A_3, %scan3A_4 : i32
    %scan3A_6 = arith.constant 1 : i32
    scf.for %scan3A_8 = %scan3A_3 to %scan3A_5 step %scan3A_6  : i32 {
      %mul3A_9 = arith.constant 16 : i32
      %mul3A_10 = arith.muli %scan3A_8, %mul3A_9 : i32
      %get3A = arith.constant 0 : i32
      %get3A_11 = arith.index_cast %get3A : i32 to index
      %get3A_12 = arith.index_cast %mul3A_10 : i32 to index
      %get3A_13 = tpu.vector_load %arg5[%get3A_11, %get3A_12] {strides = array<i32>} : memref<64x256xf32, #tpu.memory_space<vmem>>, vector<1x16xf32>,
      %get3A_14 = vector.shape_cast %get3A_13 : vector<1x16xf32> to vector<16xf32>
      %get3A_15 = arith.constant 1 : i32
      %get3A_16 = arith.index_cast %get3A_15 : i32 to index
      %get3A_17 = arith.index_cast %mul3A_10 : i32 to index
      %get3A_18 = tpu.vector_load %arg5[%get3A_16, %get3A_17] {strides = array<i32>} : memref<64x256xf32, #tpu.memory_space<vmem>>, vector<1x16xf32>,
      %get3A_19 = vector.shape_cast %get3A_18 : vector<1x16xf32> to vector<16xf32>
      %get3A_20 = arith.constant 2 : i32
      %get3A_21 = arith.index_cast %get3A_20 : i32 to index
      %get3A_22 = arith.index_cast %mul3A_10 : i32 to index
      %get3A_23 = tpu.vector_load %arg5[%get3A_21, %get3A_22] {strides = array<i32>} : memref<64x256xf32, #tpu.memory_space<vmem>>, vector<1x16xf32>,
      %get3A_24 = vector.shape_cast %get3A_23 : vector<1x16xf32> to vector<16xf32>
      %get3A_25 = arith.constant 3 : i32
      %get3A_26 = arith.index_cast %get3A_25 : i32 to index
      %get3A_27 = arith.index_cast %mul3A_10 : i32 to index
      %get3A_28 = tpu.vector_load %arg5[%get3A_26, %get3A_27] {strides = array<i32>} : memref<64x256xf32, #tpu.memory_space<vmem>>, vector<1x16xf32>,
      %get3A_29 = vector.shape_cast %get3A_28 : vector<1x16xf32> to vector<16xf32>
      %get3A_30 = arith.constant 4 : i32
      %get3A_31 = arith.index_cast %get3A_30 : i32 to index
      %get3A_32 = arith.index_cast %mul3A_10 : i32 to index
      %get3A_33 = tpu.vector_load %arg5[%get3A_31, %get3A_32] {strides = array<i32>} : memref<64x256xf32, #tpu.memory_space<vmem>>, vector<1x16xf32>,
      %get3A_34 = vector.shape_cast %get3A_33 : vector<1x16xf32> to vector<16xf32>
      %get3A_35 = arith.constant 5 : i32
      %get3A_36 = arith.index_cast %get3A_35 : i32 to index
      %get3A_37 = arith.index_cast %mul3A_10 : i32 to index
      %get3A_38 = tpu.vector_load %arg5[%get3A_36, %get3A_37] {strides = array<i32>} : memref<64x256xf32, #tpu.memory_space<vmem>>, vector<1x16xf32>,
      %get3A_39 = vector.shape_cast %get3A_38 : vector<1x16xf32> to vector<16xf32>
      %get3A_40 = arith.constant 6 : i32
      %get3A_41 = arith.index_cast %get3A_40 : i32 to index
      %get3A_42 = arith.index_cast %mul3A_10 : i32 to index
      %get3A_43 = tpu.vector_load %arg5[%get3A_41, %get3A_42] {strides = array<i32>} : memref<64x256xf32, #tpu.memory_space<vmem>>, vector<1x16xf32>,
      %get3A_44 = vector.shape_cast %get3A_43 : vector<1x16xf32> to vector<16xf32>
      %get3A_45 = arith.constant 7 : i32
      %get3A_46 = arith.index_cast %get3A_45 : i32 to index
      %get3A_47 = arith.index_cast %mul3A_10 : i32 to index
      %get3A_48 = tpu.vector_load %arg5[%get3A_46, %get3A_47] {strides = array<i32>} : memref<64x256xf32, #tpu.memory_space<vmem>>, vector<1x16xf32>,
      %get3A_49 = vector.shape_cast %get3A_48 : vector<1x16xf32> to vector<16xf32>
      %get3A_50 = arith.constant 8 : i32
      %get3A_51 = arith.index_cast %get3A_50 : i32 to index
      %get3A_52 = arith.index_cast %mul3A_10 : i32 to index
      %get3A_53 = tpu.vector_load %arg5[%get3A_51, %get3A_52] {strides = array<i32>} : memref<64x256xf32, #tpu.memory_space<vmem>>, vector<1x16xf32>,
      %get3A_54 = vector.shape_cast %get3A_53 : vector<1x16xf32> to vector<16xf32>
      %get3A_55 = arith.constant 9 : i32
      %get3A_56 = arith.index_cast %get3A_55 : i32 to index
      %get3A_57 = arith.index_cast %mul3A_10 : i32 to index
      %get3A_58 = tpu.vector_load %arg5[%get3A_56, %get3A_57] {strides = array<i32>} : memref<64x256xf32, #tpu.memory_space<vmem>>, vector<1x16xf32>,
      %get3A_59 = vector.shape_cast %get3A_58 : vector<1x16xf32> to vector<16xf32>
      %get3A_60 = arith.constant 10 : i32
      %get3A_61 = arith.index_cast %get3A_60 : i32 to index
      %get3A_62 = arith.index_cast %mul3A_10 : i32 to index
      %get3A_63 = tpu.vector_load %arg5[%get3A_61, %get3A_62] {strides = array<i32>} : memref<64x256xf32, #tpu.memory_space<vmem>>, vector<1x16xf32>,
      %get3A_64 = vector.shape_cast %get3A_63 : vector<1x16xf32> to vector<16xf32>
      %get3A_65 = arith.constant 11 : i32
      %get3A_66 = arith.index_cast %get3A_65 : i32 to index
      %get3A_67 = arith.index_cast %mul3A_10 : i32 to index
      %get3A_68 = tpu.vector_load %arg5[%get3A_66, %get3A_67] {strides = array<i32>} : memref<64x256xf32, #tpu.memory_space<vmem>>, vector<1x16xf32>,
      %get3A_69 = vector.shape_cast %get3A_68 : vector<1x16xf32> to vector<16xf32>
      %get3A_70 = arith.constant 12 : i32
      %get3A_71 = arith.index_cast %get3A_70 : i32 to index
      %get3A_72 = arith.index_cast %mul3A_10 : i32 to index
      %get3A_73 = tpu.vector_load %arg5[%get3A_71, %get3A_72] {strides = array<i32>} : memref<64x256xf32, #tpu.memory_space<vmem>>, vector<1x16xf32>,
      %get3A_74 = vector.shape_cast %get3A_73 : vector<1x16xf32> to vector<16xf32>
      %get3A_75 = arith.constant 13 : i32
      %get3A_76 = arith.index_cast %get3A_75 : i32 to index
      %get3A_77 = arith.index_cast %mul3A_10 : i32 to index
      %get3A_78 = tpu.vector_load %arg5[%get3A_76, %get3A_77] {strides = array<i32>} : memref<64x256xf32, #tpu.memory_space<vmem>>, vector<1x16xf32>,
      %get3A_79 = vector.shape_cast %get3A_78 : vector<1x16xf32> to vector<16xf32>
      %get3A_80 = arith.constant 14 : i32
      %get3A_81 = arith.index_cast %get3A_80 : i32 to index
      %get3A_82 = arith.index_cast %mul3A_10 : i32 to index
      %get3A_83 = tpu.vector_load %arg5[%get3A_81, %get3A_82] {strides = array<i32>} : memref<64x256xf32, #tpu.memory_space<vmem>>, vector<1x16xf32>,
      %get3A_84 = vector.shape_cast %get3A_83 : vector<1x16xf32> to vector<16xf32>
      %get3A_85 = arith.constant 15 : i32
      %get3A_86 = arith.index_cast %get3A_85 : i32 to index
      %get3A_87 = arith.index_cast %mul3A_10 : i32 to index
      %get3A_88 = tpu.vector_load %arg5[%get3A_86, %get3A_87] {strides = array<i32>} : memref<64x256xf32, #tpu.memory_space<vmem>>, vector<1x16xf32>,
      %get3A_89 = vector.shape_cast %get3A_88 : vector<1x16xf32> to vector<16xf32>
      %get3A_90 = arith.constant 16 : i32
      %get3A_91 = arith.index_cast %get3A_90 : i32 to index
      %get3A_92 = arith.index_cast %mul3A_10 : i32 to index
      %get3A_93 = tpu.vector_load %arg5[%get3A_91, %get3A_92] {strides = array<i32>} : memref<64x256xf32, #tpu.memory_space<vmem>>, vector<1x16xf32>,
      %get3A_94 = vector.shape_cast %get3A_93 : vector<1x16xf32> to vector<16xf32>
      %get3A_95 = arith.constant 17 : i32
      %get3A_96 = arith.index_cast %get3A_95 : i32 to index
      %get3A_97 = arith.index_cast %mul3A_10 : i32 to index
      %get3A_98 = tpu.vector_load %arg5[%get3A_96, %get3A_97] {strides = array<i32>} : memref<64x256xf32, #tpu.memory_space<vmem>>, vector<1x16xf32>,
      %get3A_99 = vector.shape_cast %get3A_98 : vector<1x16xf32> to vector<16xf32>
      %get3A_100 = arith.constant 18 : i32
      %get3A_101 = arith.index_cast %get3A_100 : i32 to index
      %get3A_102 = arith.index_cast %mul3A_10 : i32 to index
      %get3A_103 = tpu.vector_load %arg5[%get3A_101, %get3A_102] {strides = array<i32>} : memref<64x256xf32, #tpu.memory_space<vmem>>, vector<1x16xf32>,
      %get3A_104 = vector.shape_cast %get3A_103 : vector<1x16xf32> to vector<16xf32>
      %get3A_105 = arith.constant 19 : i32
      %get3A_106 = arith.index_cast %get3A_105 : i32 to index
      %get3A_107 = arith.index_cast %mul3A_10 : i32 to index
      %get3A_108 = tpu.vector_load %arg5[%get3A_106, %get3A_107] {strides = array<i32>} : memref<64x256xf32, #tpu.memory_space<vmem>>, vector<1x16xf32>,
      %get3A_109 = vector.shape_cast %get3A_108 : vector<1x16xf32> to vector<16xf32>
      %get3A_110 = arith.constant 20 : i32
      %get3A_111 = arith.index_cast %get3A_110 : i32 to index
      %get3A_112 = arith.index_cast %mul3A_10 : i32 to index
      %get3A_113 = tpu.vector_load %arg5[%get3A_111, %get3A_112] {strides = array<i32>} : memref<64x256xf32, #tpu.memory_space<vmem>>, vector<1x16xf32>,
      %get3A_114 = vector.shape_cast %get3A_113 : vector<1x16xf32> to vector<16xf32>
      %get3A_115 = arith.constant 21 : i32
      %get3A_116 = arith.index_cast %get3A_115 : i32 to index
      %get3A_117 = arith.index_cast %mul3A_10 : i32 to index
      %get3A_118 = tpu.vector_load %arg5[%get3A_116, %get3A_117] {strides = array<i32>} : memref<64x256xf32, #tpu.memory_space<vmem>>, vector<1x16xf32>,
      %get3A_119 = vector.shape_cast %get3A_118 : vector<1x16xf32> to vector<16xf32>
      %get3A_120 = arith.constant 22 : i32
      %get3A_121 = arith.index_cast %get3A_120 : i32 to index
      %get3A_122 = arith.index_cast %mul3A_10 : i32 to index
      %get3A_123 = tpu.vector_load %arg5[%get3A_121, %get3A_122] {strides = array<i32>} : memref<64x256xf32, #tpu.memory_space<vmem>>, vector<1x16xf32>,
      %get3A_124 = vector.shape_cast %get3A_123 : vector<1x16xf32> to vector<16xf32>
      %get3A_125 = arith.constant 23 : i32
      %get3A_126 = arith.index_cast %get3A_125 : i32 to index
      %get3A_127 = arith.index_cast %mul3A_10 : i32 to index
      %get3A_128 = tpu.vector_load %arg5[%get3A_126, %get3A_127] {strides = array<i32>} : memref<64x256xf32, #tpu.memory_space<vmem>>, vector<1x16xf32>,
      %get3A_129 = vector.shape_cast %get3A_128 : vector<1x16xf32> to vector<16xf32>
      %get3A_130 = arith.constant 24 : i32
      %get3A_131 = arith.index_cast %get3A_130 : i32 to index
      %get3A_132 = arith.index_cast %mul3A_10 : i32 to index
      %get3A_133 = tpu.vector_load %arg5[%get3A_131, %get3A_132] {strides = array<i32>} : memref<64x256xf32, #tpu.memory_space<vmem>>, vector<1x16xf32>,
      %get3A_134 = vector.shape_cast %get3A_133 : vector<1x16xf32> to vector<16xf32>
      %get3A_135 = arith.constant 25 : i32
      %get3A_136 = arith.index_cast %get3A_135 : i32 to index
      %get3A_137 = arith.index_cast %mul3A_10 : i32 to index
      %get3A_138 = tpu.vector_load %arg5[%get3A_136, %get3A_137] {strides = array<i32>} : memref<64x256xf32, #tpu.memory_space<vmem>>, vector<1x16xf32>,
      %get3A_139 = vector.shape_cast %get3A_138 : vector<1x16xf32> to vector<16xf32>
      %get3A_140 = arith.constant 26 : i32
      %get3A_141 = arith.index_cast %get3A_140 : i32 to index
      %get3A_142 = arith.index_cast %mul3A_10 : i32 to index
      %get3A_143 = tpu.vector_load %arg5[%get3A_141, %get3A_142] {strides = array<i32>} : memref<64x256xf32, #tpu.memory_space<vmem>>, vector<1x16xf32>,
      %get3A_144 = vector.shape_cast %get3A_143 : vector<1x16xf32> to vector<16xf32>
      %get3A_145 = arith.constant 27 : i32
      %get3A_146 = arith.index_cast %get3A_145 : i32 to index
      %get3A_147 = arith.index_cast %mul3A_10 : i32 to index
      %get3A_148 = tpu.vector_load %arg5[%get3A_146, %get3A_147] {strides = array<i32>} : memref<64x256xf32, #tpu.memory_space<vmem>>, vector<1x16xf32>,
      %get3A_149 = vector.shape_cast %get3A_148 : vector<1x16xf32> to vector<16xf32>
      %get3A_150 = arith.constant 28 : i32
      %get3A_151 = arith.index_cast %get3A_150 : i32 to index
      %get3A_152 = arith.index_cast %mul3A_10 : i32 to index
      %get3A_153 = tpu.vector_load %arg5[%get3A_151, %get3A_152] {strides = array<i32>} : memref<64x256xf32, #tpu.memory_space<vmem>>, vector<1x16xf32>,
      %get3A_154 = vector.shape_cast %get3A_153 : vector<1x16xf32> to vector<16xf32>
      %get3A_155 = arith.constant 29 : i32
      %get3A_156 = arith.index_cast %get3A_155 : i32 to index
      %get3A_157 = arith.index_cast %mul3A_10 : i32 to index
      %get3A_158 = tpu.vector_load %arg5[%get3A_156, %get3A_157] {strides = array<i32>} : memref<64x256xf32, #tpu.memory_space<vmem>>, vector<1x16xf32>,
      %get3A_159 = vector.shape_cast %get3A_158 : vector<1x16xf32> to vector<16xf32>
      %get3A_160 = arith.constant 30 : i32
      %get3A_161 = arith.index_cast %get3A_160 : i32 to index
      %get3A_162 = arith.index_cast %mul3A_10 : i32 to index
      %get3A_163 = tpu.vector_load %arg5[%get3A_161, %get3A_162] {strides = array<i32>} : memref<64x256xf32, #tpu.memory_space<vmem>>, vector<1x16xf32>,
      %get3A_164 = vector.shape_cast %get3A_163 : vector<1x16xf32> to vector<16xf32>
      %get3A_165 = arith.constant 31 : i32
      %get3A_166 = arith.index_cast %get3A_165 : i32 to index
      %get3A_167 = arith.index_cast %mul3A_10 : i32 to index
      %get3A_168 = tpu.vector_load %arg5[%get3A_166, %get3A_167] {strides = array<i32>} : memref<64x256xf32, #tpu.memory_space<vmem>>, vector<1x16xf32>,
      %get3A_169 = vector.shape_cast %get3A_168 : vector<1x16xf32> to vector<16xf32>
      %get3A_170 = arith.constant 32 : i32
      %get3A_171 = arith.index_cast %get3A_170 : i32 to index
      %get3A_172 = arith.index_cast %mul3A_10 : i32 to index
      %get3A_173 = tpu.vector_load %arg5[%get3A_171, %get3A_172] {strides = array<i32>} : memref<64x256xf32, #tpu.memory_space<vmem>>, vector<1x16xf32>,
      %get3A_174 = vector.shape_cast %get3A_173 : vector<1x16xf32> to vector<16xf32>
      %get3A_175 = arith.constant 33 : i32
      %get3A_176 = arith.index_cast %get3A_175 : i32 to index
      %get3A_177 = arith.index_cast %mul3A_10 : i32 to index
      %get3A_178 = tpu.vector_load %arg5[%get3A_176, %get3A_177] {strides = array<i32>} : memref<64x256xf32, #tpu.memory_space<vmem>>, vector<1x16xf32>,
      %get3A_179 = vector.shape_cast %get3A_178 : vector<1x16xf32> to vector<16xf32>
      %get3A_180 = arith.constant 34 : i32
      %get3A_181 = arith.index_cast %get3A_180 : i32 to index
      %get3A_182 = arith.index_cast %mul3A_10 : i32 to index
      %get3A_183 = tpu.vector_load %arg5[%get3A_181, %get3A_182] {strides = array<i32>} : memref<64x256xf32, #tpu.memory_space<vmem>>, vector<1x16xf32>,
      %get3A_184 = vector.shape_cast %get3A_183 : vector<1x16xf32> to vector<16xf32>
      %get3A_185 = arith.constant 35 : i32
      %get3A_186 = arith.index_cast %get3A_185 : i32 to index
      %get3A_187 = arith.index_cast %mul3A_10 : i32 to index
      %get3A_188 = tpu.vector_load %arg5[%get3A_186, %get3A_187] {strides = array<i32>} : memref<64x256xf32, #tpu.memory_space<vmem>>, vector<1x16xf32>,
      %get3A_189 = vector.shape_cast %get3A_188 : vector<1x16xf32> to vector<16xf32>
      %get3A_190 = arith.constant 36 : i32
      %get3A_191 = arith.index_cast %get3A_190 : i32 to index
      %get3A_192 = arith.index_cast %mul3A_10 : i32 to index
      %get3A_193 = tpu.vector_load %arg5[%get3A_191, %get3A_192] {strides = array<i32>} : memref<64x256xf32, #tpu.memory_space<vmem>>, vector<1x16xf32>,
      %get3A_194 = vector.shape_cast %get3A_193 : vector<1x16xf32> to vector<16xf32>
      %get3A_195 = arith.constant 37 : i32
      %get3A_196 = arith.index_cast %get3A_195 : i32 to index
      %get3A_197 = arith.index_cast %mul3A_10 : i32 to index
      %get3A_198 = tpu.vector_load %arg5[%get3A_196, %get3A_197] {strides = array<i32>} : memref<64x256xf32, #tpu.memory_space<vmem>>, vector<1x16xf32>,
      %get3A_199 = vector.shape_cast %get3A_198 : vector<1x16xf32> to vector<16xf32>
      %get3A_200 = arith.constant 38 : i32
      %get3A_201 = arith.index_cast %get3A_200 : i32 to index
      %get3A_202 = arith.index_cast %mul3A_10 : i32 to index
      %get3A_203 = tpu.vector_load %arg5[%get3A_201, %get3A_202] {strides = array<i32>} : memref<64x256xf32, #tpu.memory_space<vmem>>, vector<1x16xf32>,
      %get3A_204 = vector.shape_cast %get3A_203 : vector<1x16xf32> to vector<16xf32>
      %get3A_205 = arith.constant 39 : i32
      %get3A_206 = arith.index_cast %get3A_205 : i32 to index
      %get3A_207 = arith.index_cast %mul3A_10 : i32 to index
      %get3A_208 = tpu.vector_load %arg5[%get3A_206, %get3A_207] {strides = array<i32>} : memref<64x256xf32, #tpu.memory_space<vmem>>, vector<1x16xf32>,
      %get3A_209 = vector.shape_cast %get3A_208 : vector<1x16xf32> to vector<16xf32>
      %get3A_210 = arith.constant 40 : i32
      %get3A_211 = arith.index_cast %get3A_210 : i32 to index
      %get3A_212 = arith.index_cast %mul3A_10 : i32 to index
      %get3A_213 = tpu.vector_load %arg5[%get3A_211, %get3A_212] {strides = array<i32>} : memref<64x256xf32, #tpu.memory_space<vmem>>, vector<1x16xf32>,
      %get3A_214 = vector.shape_cast %get3A_213 : vector<1x16xf32> to vector<16xf32>
      %get3A_215 = arith.constant 41 : i32
      %get3A_216 = arith.index_cast %get3A_215 : i32 to index
      %get3A_217 = arith.index_cast %mul3A_10 : i32 to index
      %get3A_218 = tpu.vector_load %arg5[%get3A_216, %get3A_217] {strides = array<i32>} : memref<64x256xf32, #tpu.memory_space<vmem>>, vector<1x16xf32>,
      %get3A_219 = vector.shape_cast %get3A_218 : vector<1x16xf32> to vector<16xf32>
      %get3A_220 = arith.constant 42 : i32
      %get3A_221 = arith.index_cast %get3A_220 : i32 to index
      %get3A_222 = arith.index_cast %mul3A_10 : i32 to index
      %get3A_223 = tpu.vector_load %arg5[%get3A_221, %get3A_222] {strides = array<i32>} : memref<64x256xf32, #tpu.memory_space<vmem>>, vector<1x16xf32>,
      %get3A_224 = vector.shape_cast %get3A_223 : vector<1x16xf32> to vector<16xf32>
      %get3A_225 = arith.constant 43 : i32
      %get3A_226 = arith.index_cast %get3A_225 : i32 to index
      %get3A_227 = arith.index_cast %mul3A_10 : i32 to index
      %get3A_228 = tpu.vector_load %arg5[%get3A_226, %get3A_227] {strides = array<i32>} : memref<64x256xf32, #tpu.memory_space<vmem>>, vector<1x16xf32>,
      %get3A_229 = vector.shape_cast %get3A_228 : vector<1x16xf32> to vector<16xf32>
      %get3A_230 = arith.constant 44 : i32
      %get3A_231 = arith.index_cast %get3A_230 : i32 to index
      %get3A_232 = arith.index_cast %mul3A_10 : i32 to index
      %get3A_233 = tpu.vector_load %arg5[%get3A_231, %get3A_232] {strides = array<i32>} : memref<64x256xf32, #tpu.memory_space<vmem>>, vector<1x16xf32>,
      %get3A_234 = vector.shape_cast %get3A_233 : vector<1x16xf32> to vector<16xf32>
      %get3A_235 = arith.constant 45 : i32
      %get3A_236 = arith.index_cast %get3A_235 : i32 to index
      %get3A_237 = arith.index_cast %mul3A_10 : i32 to index
      %get3A_238 = tpu.vector_load %arg5[%get3A_236, %get3A_237] {strides = array<i32>} : memref<64x256xf32, #tpu.memory_space<vmem>>, vector<1x16xf32>,
      %get3A_239 = vector.shape_cast %get3A_238 : vector<1x16xf32> to vector<16xf32>
      %get3A_240 = arith.constant 46 : i32
      %get3A_241 = arith.index_cast %get3A_240 : i32 to index
      %get3A_242 = arith.index_cast %mul3A_10 : i32 to index
      %get3A_243 = tpu.vector_load %arg5[%get3A_241, %get3A_242] {strides = array<i32>} : memref<64x256xf32, #tpu.memory_space<vmem>>, vector<1x16xf32>,
      %get3A_244 = vector.shape_cast %get3A_243 : vector<1x16xf32> to vector<16xf32>
      %get3A_245 = arith.constant 47 : i32
      %get3A_246 = arith.index_cast %get3A_245 : i32 to index
      %get3A_247 = arith.index_cast %mul3A_10 : i32 to index
      %get3A_248 = tpu.vector_load %arg5[%get3A_246, %get3A_247] {strides = array<i32>} : memref<64x256xf32, #tpu.memory_space<vmem>>, vector<1x16xf32>,
      %get3A_249 = vector.shape_cast %get3A_248 : vector<1x16xf32> to vector<16xf32>
      %get3A_250 = arith.constant 48 : i32
      %get3A_251 = arith.index_cast %get3A_250 : i32 to index
      %get3A_252 = arith.index_cast %mul3A_10 : i32 to index
      %get3A_253 = tpu.vector_load %arg5[%get3A_251, %get3A_252] {strides = array<i32>} : memref<64x256xf32, #tpu.memory_space<vmem>>, vector<1x16xf32>,
      %get3A_254 = vector.shape_cast %get3A_253 : vector<1x16xf32> to vector<16xf32>
      %get3A_255 = arith.constant 49 : i32
      %get3A_256 = arith.index_cast %get3A_255 : i32 to index
      %get3A_257 = arith.index_cast %mul3A_10 : i32 to index
      %get3A_258 = tpu.vector_load %arg5[%get3A_256, %get3A_257] {strides = array<i32>} : memref<64x256xf32, #tpu.memory_space<vmem>>, vector<1x16xf32>,
      %get3A_259 = vector.shape_cast %get3A_258 : vector<1x16xf32> to vector<16xf32>
      %get3A_260 = arith.constant 50 : i32
      %get3A_261 = arith.index_cast %get3A_260 : i32 to index
      %get3A_262 = arith.index_cast %mul3A_10 : i32 to index
      %get3A_263 = tpu.vector_load %arg5[%get3A_261, %get3A_262] {strides = array<i32>} : memref<64x256xf32, #tpu.memory_space<vmem>>, vector<1x16xf32>,
      %get3A_264 = vector.shape_cast %get3A_263 : vector<1x16xf32> to vector<16xf32>
      %get3A_265 = arith.constant 51 : i32
      %get3A_266 = arith.index_cast %get3A_265 : i32 to index
      %get3A_267 = arith.index_cast %mul3A_10 : i32 to index
      %get3A_268 = tpu.vector_load %arg5[%get3A_266, %get3A_267] {strides = array<i32>} : memref<64x256xf32, #tpu.memory_space<vmem>>, vector<1x16xf32>,
      %get3A_269 = vector.shape_cast %get3A_268 : vector<1x16xf32> to vector<16xf32>
      %get3A_270 = arith.constant 52 : i32
      %get3A_271 = arith.index_cast %get3A_270 : i32 to index
      %get3A_272 = arith.index_cast %mul3A_10 : i32 to index
      %get3A_273 = tpu.vector_load %arg5[%get3A_271, %get3A_272] {strides = array<i32>} : memref<64x256xf32, #tpu.memory_space<vmem>>, vector<1x16xf32>,
      %get3A_274 = vector.shape_cast %get3A_273 : vector<1x16xf32> to vector<16xf32>
      %get3A_275 = arith.constant 53 : i32
      %get3A_276 = arith.index_cast %get3A_275 : i32 to index
      %get3A_277 = arith.index_cast %mul3A_10 : i32 to index
      %get3A_278 = tpu.vector_load %arg5[%get3A_276, %get3A_277] {strides = array<i32>} : memref<64x256xf32, #tpu.memory_space<vmem>>, vector<1x16xf32>,
      %get3A_279 = vector.shape_cast %get3A_278 : vector<1x16xf32> to vector<16xf32>
      %get3A_280 = arith.constant 54 : i32
      %get3A_281 = arith.index_cast %get3A_280 : i32 to index
      %get3A_282 = arith.index_cast %mul3A_10 : i32 to index
      %get3A_283 = tpu.vector_load %arg5[%get3A_281, %get3A_282] {strides = array<i32>} : memref<64x256xf32, #tpu.memory_space<vmem>>, vector<1x16xf32>,
      %get3A_284 = vector.shape_cast %get3A_283 : vector<1x16xf32> to vector<16xf32>
      %get3A_285 = arith.constant 55 : i32
      %get3A_286 = arith.index_cast %get3A_285 : i32 to index
      %get3A_287 = arith.index_cast %mul3A_10 : i32 to index
      %get3A_288 = tpu.vector_load %arg5[%get3A_286, %get3A_287] {strides = array<i32>} : memref<64x256xf32, #tpu.memory_space<vmem>>, vector<1x16xf32>,
      %get3A_289 = vector.shape_cast %get3A_288 : vector<1x16xf32> to vector<16xf32>
      %get3A_290 = arith.constant 56 : i32
      %get3A_291 = arith.index_cast %get3A_290 : i32 to index
      %get3A_292 = arith.index_cast %mul3A_10 : i32 to index
      %get3A_293 = tpu.vector_load %arg5[%get3A_291, %get3A_292] {strides = array<i32>} : memref<64x256xf32, #tpu.memory_space<vmem>>, vector<1x16xf32>,
      %get3A_294 = vector.shape_cast %get3A_293 : vector<1x16xf32> to vector<16xf32>
      %get3A_295 = arith.constant 57 : i32
      %get3A_296 = arith.index_cast %get3A_295 : i32 to index
      %get3A_297 = arith.index_cast %mul3A_10 : i32 to index
      %get3A_298 = tpu.vector_load %arg5[%get3A_296, %get3A_297] {strides = array<i32>} : memref<64x256xf32, #tpu.memory_space<vmem>>, vector<1x16xf32>,
      %get3A_299 = vector.shape_cast %get3A_298 : vector<1x16xf32> to vector<16xf32>
      %get3A_300 = arith.constant 58 : i32
      %get3A_301 = arith.index_cast %get3A_300 : i32 to index
      %get3A_302 = arith.index_cast %mul3A_10 : i32 to index
      %get3A_303 = tpu.vector_load %arg5[%get3A_301, %get3A_302] {strides = array<i32>} : memref<64x256xf32, #tpu.memory_space<vmem>>, vector<1x16xf32>,
      %get3A_304 = vector.shape_cast %get3A_303 : vector<1x16xf32> to vector<16xf32>
      %get3A_305 = arith.constant 59 : i32
      %get3A_306 = arith.index_cast %get3A_305 : i32 to index
      %get3A_307 = arith.index_cast %mul3A_10 : i32 to index
      %get3A_308 = tpu.vector_load %arg5[%get3A_306, %get3A_307] {strides = array<i32>} : memref<64x256xf32, #tpu.memory_space<vmem>>, vector<1x16xf32>,
      %get3A_309 = vector.shape_cast %get3A_308 : vector<1x16xf32> to vector<16xf32>
      %get3A_310 = arith.constant 60 : i32
      %get3A_311 = arith.index_cast %get3A_310 : i32 to index
      %get3A_312 = arith.index_cast %mul3A_10 : i32 to index
      %get3A_313 = tpu.vector_load %arg5[%get3A_311, %get3A_312] {strides = array<i32>} : memref<64x256xf32, #tpu.memory_space<vmem>>, vector<1x16xf32>,
      %get3A_314 = vector.shape_cast %get3A_313 : vector<1x16xf32> to vector<16xf32>
      %get3A_315 = arith.constant 61 : i32
      %get3A_316 = arith.index_cast %get3A_315 : i32 to index
      %get3A_317 = arith.index_cast %mul3A_10 : i32 to index
      %get3A_318 = tpu.vector_load %arg5[%get3A_316, %get3A_317] {strides = array<i32>} : memref<64x256xf32, #tpu.memory_space<vmem>>, vector<1x16xf32>,
      %get3A_319 = vector.shape_cast %get3A_318 : vector<1x16xf32> to vector<16xf32>
      %get3A_320 = arith.constant 62 : i32
      %get3A_321 = arith.index_cast %get3A_320 : i32 to index
      %get3A_322 = arith.index_cast %mul3A_10 : i32 to index
      %get3A_323 = tpu.vector_load %arg5[%get3A_321, %get3A_322] {strides = array<i32>} : memref<64x256xf32, #tpu.memory_space<vmem>>, vector<1x16xf32>,
      %get3A_324 = vector.shape_cast %get3A_323 : vector<1x16xf32> to vector<16xf32>
      %get3A_325 = arith.constant 63 : i32
      %get3A_326 = arith.index_cast %get3A_325 : i32 to index
      %get3A_327 = arith.index_cast %mul3A_10 : i32 to index
      %get3A_328 = tpu.vector_load %arg5[%get3A_326, %get3A_327] {strides = array<i32>} : memref<64x256xf32, #tpu.memory_space<vmem>>, vector<1x16xf32>,
      %get3A_329 = vector.shape_cast %get3A_328 : vector<1x16xf32> to vector<16xf32>
      %max3A = arith.maximumf %get3A_14, %get3A_19 : vector<16xf32>
      %min3A = arith.minimumf %get3A_14, %get3A_19 : vector<16xf32>
      %min3A_330 = arith.minimumf %get3A_24, %get3A_29 : vector<16xf32>
      %max3A_331 = arith.maximumf %get3A_24, %get3A_29 : vector<16xf32>
      %max3A_332 = arith.maximumf %max3A, %min3A_330 : vector<16xf32>
      %min3A_333 = arith.minimumf %max3A, %min3A_330 : vector<16xf32>
      %max3A_334 = arith.maximumf %min3A, %max3A_331 : vector<16xf32>
      %min3A_335 = arith.minimumf %min3A, %max3A_331 : vector<16xf32>
      %max3A_336 = arith.maximumf %max3A_332, %max3A_334 : vector<16xf32>
      %min3A_337 = arith.minimumf %max3A_332, %max3A_334 : vector<16xf32>
      %max3A_338 = arith.maximumf %min3A_333, %min3A_335 : vector<16xf32>
      %min3A_339 = arith.minimumf %min3A_333, %min3A_335 : vector<16xf32>
      %max3A_340 = arith.maximumf %get3A_34, %get3A_39 : vector<16xf32>
      %min3A_341 = arith.minimumf %get3A_34, %get3A_39 : vector<16xf32>
      %min3A_342 = arith.minimumf %get3A_44, %get3A_49 : vector<16xf32>
      %max3A_343 = arith.maximumf %get3A_44, %get3A_49 : vector<16xf32>
      %min3A_344 = arith.minimumf %max3A_340, %min3A_342 : vector<16xf32>
      %max3A_345 = arith.maximumf %max3A_340, %min3A_342 : vector<16xf32>
      %min3A_346 = arith.minimumf %min3A_341, %max3A_343 : vector<16xf32>
      %max3A_347 = arith.maximumf %min3A_341, %max3A_343 : vector<16xf32>
      %min3A_348 = arith.minimumf %min3A_344, %min3A_346 : vector<16xf32>
      %max3A_349 = arith.maximumf %min3A_344, %min3A_346 : vector<16xf32>
      %min3A_350 = arith.minimumf %max3A_345, %max3A_347 : vector<16xf32>
      %max3A_351 = arith.maximumf %max3A_345, %max3A_347 : vector<16xf32>
      %max3A_352 = arith.maximumf %max3A_336, %min3A_348 : vector<16xf32>
      %min3A_353 = arith.minimumf %max3A_336, %min3A_348 : vector<16xf32>
      %max3A_354 = arith.maximumf %min3A_337, %max3A_349 : vector<16xf32>
      %min3A_355 = arith.minimumf %min3A_337, %max3A_349 : vector<16xf32>
      %max3A_356 = arith.maximumf %max3A_338, %min3A_350 : vector<16xf32>
      %min3A_357 = arith.minimumf %max3A_338, %min3A_350 : vector<16xf32>
      %max3A_358 = arith.maximumf %min3A_339, %max3A_351 : vector<16xf32>
      %min3A_359 = arith.minimumf %min3A_339, %max3A_351 : vector<16xf32>
      %max3A_360 = arith.maximumf %max3A_352, %max3A_356 : vector<16xf32>
      %min3A_361 = arith.minimumf %max3A_352, %max3A_356 : vector<16xf32>
      %max3A_362 = arith.maximumf %max3A_354, %max3A_358 : vector<16xf32>
      %min3A_363 = arith.minimumf %max3A_354, %max3A_358 : vector<16xf32>
      %max3A_364 = arith.maximumf %max3A_360, %max3A_362 : vector<16xf32>
      %min3A_365 = arith.minimumf %max3A_360, %max3A_362 : vector<16xf32>
      %max3A_366 = arith.maximumf %min3A_361, %min3A_363 : vector<16xf32>
      %min3A_367 = arith.minimumf %min3A_361, %min3A_363 : vector<16xf32>
      %max3A_368 = arith.maximumf %min3A_353, %min3A_357 : vector<16xf32>
      %min3A_369 = arith.minimumf %min3A_353, %min3A_357 : vector<16xf32>
      %max3A_370 = arith.maximumf %min3A_355, %min3A_359 : vector<16xf32>
      %min3A_371 = arith.minimumf %min3A_355, %min3A_359 : vector<16xf32>
      %max3A_372 = arith.maximumf %max3A_368, %max3A_370 : vector<16xf32>
      %min3A_373 = arith.minimumf %max3A_368, %max3A_370 : vector<16xf32>
      %max3A_374 = arith.maximumf %min3A_369, %min3A_371 : vector<16xf32>
      %min3A_375 = arith.minimumf %min3A_369, %min3A_371 : vector<16xf32>
      %max3A_376 = arith.maximumf %get3A_54, %get3A_59 : vector<16xf32>
      %min3A_377 = arith.minimumf %get3A_54, %get3A_59 : vector<16xf32>
      %min3A_378 = arith.minimumf %get3A_64, %get3A_69 : vector<16xf32>
      %max3A_379 = arith.maximumf %get3A_64, %get3A_69 : vector<16xf32>
      %max3A_380 = arith.maximumf %max3A_376, %min3A_378 : vector<16xf32>
      %min3A_381 = arith.minimumf %max3A_376, %min3A_378 : vector<16xf32>
      %max3A_382 = arith.maximumf %min3A_377, %max3A_379 : vector<16xf32>
      %min3A_383 = arith.minimumf %min3A_377, %max3A_379 : vector<16xf32>
      %max3A_384 = arith.maximumf %max3A_380, %max3A_382 : vector<16xf32>
      %min3A_385 = arith.minimumf %max3A_380, %max3A_382 : vector<16xf32>
      %max3A_386 = arith.maximumf %min3A_381, %min3A_383 : vector<16xf32>
      %min3A_387 = arith.minimumf %min3A_381, %min3A_383 : vector<16xf32>
      %max3A_388 = arith.maximumf %get3A_74, %get3A_79 : vector<16xf32>
      %min3A_389 = arith.minimumf %get3A_74, %get3A_79 : vector<16xf32>
      %min3A_390 = arith.minimumf %get3A_84, %get3A_89 : vector<16xf32>
      %max3A_391 = arith.maximumf %get3A_84, %get3A_89 : vector<16xf32>
      %min3A_392 = arith.minimumf %max3A_388, %min3A_390 : vector<16xf32>
      %max3A_393 = arith.maximumf %max3A_388, %min3A_390 : vector<16xf32>
      %min3A_394 = arith.minimumf %min3A_389, %max3A_391 : vector<16xf32>
      %max3A_395 = arith.maximumf %min3A_389, %max3A_391 : vector<16xf32>
      %min3A_396 = arith.minimumf %min3A_392, %min3A_394 : vector<16xf32>
      %max3A_397 = arith.maximumf %min3A_392, %min3A_394 : vector<16xf32>
      %min3A_398 = arith.minimumf %max3A_393, %max3A_395 : vector<16xf32>
      %max3A_399 = arith.maximumf %max3A_393, %max3A_395 : vector<16xf32>
      %max3A_400 = arith.maximumf %max3A_384, %min3A_396 : vector<16xf32>
      %min3A_401 = arith.minimumf %max3A_384, %min3A_396 : vector<16xf32>
      %max3A_402 = arith.maximumf %min3A_385, %max3A_397 : vector<16xf32>
      %min3A_403 = arith.minimumf %min3A_385, %max3A_397 : vector<16xf32>
      %max3A_404 = arith.maximumf %max3A_386, %min3A_398 : vector<16xf32>
      %min3A_405 = arith.minimumf %max3A_386, %min3A_398 : vector<16xf32>
      %max3A_406 = arith.maximumf %min3A_387, %max3A_399 : vector<16xf32>
      %min3A_407 = arith.minimumf %min3A_387, %max3A_399 : vector<16xf32>
      %max3A_408 = arith.maximumf %max3A_400, %max3A_404 : vector<16xf32>
      %min3A_409 = arith.minimumf %max3A_400, %max3A_404 : vector<16xf32>
      %max3A_410 = arith.maximumf %max3A_402, %max3A_406 : vector<16xf32>
      %min3A_411 = arith.minimumf %max3A_402, %max3A_406 : vector<16xf32>
      %max3A_412 = arith.maximumf %max3A_408, %max3A_410 : vector<16xf32>
      %min3A_413 = arith.minimumf %max3A_408, %max3A_410 : vector<16xf32>
      %max3A_414 = arith.maximumf %min3A_409, %min3A_411 : vector<16xf32>
      %min3A_415 = arith.minimumf %min3A_409, %min3A_411 : vector<16xf32>
      %max3A_416 = arith.maximumf %min3A_401, %min3A_405 : vector<16xf32>
      %min3A_417 = arith.minimumf %min3A_401, %min3A_405 : vector<16xf32>
      %max3A_418 = arith.maximumf %min3A_403, %min3A_407 : vector<16xf32>
      %min3A_419 = arith.minimumf %min3A_403, %min3A_407 : vector<16xf32>
      %max3A_420 = arith.maximumf %max3A_416, %max3A_418 : vector<16xf32>
      %min3A_421 = arith.minimumf %max3A_416, %max3A_418 : vector<16xf32>
      %max3A_422 = arith.maximumf %min3A_417, %min3A_419 : vector<16xf32>
      %min3A_423 = arith.minimumf %min3A_417, %min3A_419 : vector<16xf32>
      %max3A_424 = arith.maximumf %get3A_94, %get3A_99 : vector<16xf32>
      %min3A_425 = arith.minimumf %get3A_94, %get3A_99 : vector<16xf32>
      %min3A_426 = arith.minimumf %get3A_104, %get3A_109 : vector<16xf32>
      %max3A_427 = arith.maximumf %get3A_104, %get3A_109 : vector<16xf32>
      %max3A_428 = arith.maximumf %max3A_424, %min3A_426 : vector<16xf32>
      %min3A_429 = arith.minimumf %max3A_424, %min3A_426 : vector<16xf32>
      %max3A_430 = arith.maximumf %min3A_425, %max3A_427 : vector<16xf32>
      %min3A_431 = arith.minimumf %min3A_425, %max3A_427 : vector<16xf32>
      %max3A_432 = arith.maximumf %max3A_428, %max3A_430 : vector<16xf32>
      %min3A_433 = arith.minimumf %max3A_428, %max3A_430 : vector<16xf32>
      %max3A_434 = arith.maximumf %min3A_429, %min3A_431 : vector<16xf32>
      %min3A_435 = arith.minimumf %min3A_429, %min3A_431 : vector<16xf32>
      %max3A_436 = arith.maximumf %get3A_114, %get3A_119 : vector<16xf32>
      %min3A_437 = arith.minimumf %get3A_114, %get3A_119 : vector<16xf32>
      %min3A_438 = arith.minimumf %get3A_124, %get3A_129 : vector<16xf32>
      %max3A_439 = arith.maximumf %get3A_124, %get3A_129 : vector<16xf32>
      %min3A_440 = arith.minimumf %max3A_436, %min3A_438 : vector<16xf32>
      %max3A_441 = arith.maximumf %max3A_436, %min3A_438 : vector<16xf32>
      %min3A_442 = arith.minimumf %min3A_437, %max3A_439 : vector<16xf32>
      %max3A_443 = arith.maximumf %min3A_437, %max3A_439 : vector<16xf32>
      %min3A_444 = arith.minimumf %min3A_440, %min3A_442 : vector<16xf32>
      %max3A_445 = arith.maximumf %min3A_440, %min3A_442 : vector<16xf32>
      %min3A_446 = arith.minimumf %max3A_441, %max3A_443 : vector<16xf32>
      %max3A_447 = arith.maximumf %max3A_441, %max3A_443 : vector<16xf32>
      %max3A_448 = arith.maximumf %max3A_432, %min3A_444 : vector<16xf32>
      %min3A_449 = arith.minimumf %max3A_432, %min3A_444 : vector<16xf32>
      %max3A_450 = arith.maximumf %min3A_433, %max3A_445 : vector<16xf32>
      %min3A_451 = arith.minimumf %min3A_433, %max3A_445 : vector<16xf32>
      %max3A_452 = arith.maximumf %max3A_434, %min3A_446 : vector<16xf32>
      %min3A_453 = arith.minimumf %max3A_434, %min3A_446 : vector<16xf32>
      %max3A_454 = arith.maximumf %min3A_435, %max3A_447 : vector<16xf32>
      %min3A_455 = arith.minimumf %min3A_435, %max3A_447 : vector<16xf32>
      %max3A_456 = arith.maximumf %max3A_448, %max3A_452 : vector<16xf32>
      %min3A_457 = arith.minimumf %max3A_448, %max3A_452 : vector<16xf32>
      %max3A_458 = arith.maximumf %max3A_450, %max3A_454 : vector<16xf32>
      %min3A_459 = arith.minimumf %max3A_450, %max3A_454 : vector<16xf32>
      %max3A_460 = arith.maximumf %max3A_456, %max3A_458 : vector<16xf32>
      %min3A_461 = arith.minimumf %max3A_456, %max3A_458 : vector<16xf32>
      %max3A_462 = arith.maximumf %min3A_457, %min3A_459 : vector<16xf32>
      %min3A_463 = arith.minimumf %min3A_457, %min3A_459 : vector<16xf32>
      %max3A_464 = arith.maximumf %min3A_449, %min3A_453 : vector<16xf32>
      %min3A_465 = arith.minimumf %min3A_449, %min3A_453 : vector<16xf32>
      %max3A_466 = arith.maximumf %min3A_451, %min3A_455 : vector<16xf32>
      %min3A_467 = arith.minimumf %min3A_451, %min3A_455 : vector<16xf32>
      %max3A_468 = arith.maximumf %max3A_464, %max3A_466 : vector<16xf32>
      %min3A_469 = arith.minimumf %max3A_464, %max3A_466 : vector<16xf32>
      %max3A_470 = arith.maximumf %min3A_465, %min3A_467 : vector<16xf32>
      %min3A_471 = arith.minimumf %min3A_465, %min3A_467 : vector<16xf32>
      %max3A_472 = arith.maximumf %get3A_134, %get3A_139 : vector<16xf32>
      %min3A_473 = arith.minimumf %get3A_134, %get3A_139 : vector<16xf32>
      %min3A_474 = arith.minimumf %get3A_144, %get3A_149 : vector<16xf32>
      %max3A_475 = arith.maximumf %get3A_144, %get3A_149 : vector<16xf32>
      %max3A_476 = arith.maximumf %max3A_472, %min3A_474 : vector<16xf32>
      %min3A_477 = arith.minimumf %max3A_472, %min3A_474 : vector<16xf32>
      %max3A_478 = arith.maximumf %min3A_473, %max3A_475 : vector<16xf32>
      %min3A_479 = arith.minimumf %min3A_473, %max3A_475 : vector<16xf32>
      %max3A_480 = arith.maximumf %max3A_476, %max3A_478 : vector<16xf32>
      %min3A_481 = arith.minimumf %max3A_476, %max3A_478 : vector<16xf32>
      %max3A_482 = arith.maximumf %min3A_477, %min3A_479 : vector<16xf32>
      %min3A_483 = arith.minimumf %min3A_477, %min3A_479 : vector<16xf32>
      %max3A_484 = arith.maximumf %get3A_154, %get3A_159 : vector<16xf32>
      %min3A_485 = arith.minimumf %get3A_154, %get3A_159 : vector<16xf32>
      %min3A_486 = arith.minimumf %get3A_164, %get3A_169 : vector<16xf32>
      %max3A_487 = arith.maximumf %get3A_164, %get3A_169 : vector<16xf32>
      %min3A_488 = arith.minimumf %max3A_484, %min3A_486 : vector<16xf32>
      %max3A_489 = arith.maximumf %max3A_484, %min3A_486 : vector<16xf32>
      %min3A_490 = arith.minimumf %min3A_485, %max3A_487 : vector<16xf32>
      %max3A_491 = arith.maximumf %min3A_485, %max3A_487 : vector<16xf32>
      %min3A_492 = arith.minimumf %min3A_488, %min3A_490 : vector<16xf32>
      %max3A_493 = arith.maximumf %min3A_488, %min3A_490 : vector<16xf32>
      %min3A_494 = arith.minimumf %max3A_489, %max3A_491 : vector<16xf32>
      %max3A_495 = arith.maximumf %max3A_489, %max3A_491 : vector<16xf32>
      %max3A_496 = arith.maximumf %max3A_480, %min3A_492 : vector<16xf32>
      %min3A_497 = arith.minimumf %max3A_480, %min3A_492 : vector<16xf32>
      %max3A_498 = arith.maximumf %min3A_481, %max3A_493 : vector<16xf32>
      %min3A_499 = arith.minimumf %min3A_481, %max3A_493 : vector<16xf32>
      %max3A_500 = arith.maximumf %max3A_482, %min3A_494 : vector<16xf32>
      %min3A_501 = arith.minimumf %max3A_482, %min3A_494 : vector<16xf32>
      %max3A_502 = arith.maximumf %min3A_483, %max3A_495 : vector<16xf32>
      %min3A_503 = arith.minimumf %min3A_483, %max3A_495 : vector<16xf32>
      %max3A_504 = arith.maximumf %max3A_496, %max3A_500 : vector<16xf32>
      %min3A_505 = arith.minimumf %max3A_496, %max3A_500 : vector<16xf32>
      %max3A_506 = arith.maximumf %max3A_498, %max3A_502 : vector<16xf32>
      %min3A_507 = arith.minimumf %max3A_498, %max3A_502 : vector<16xf32>
      %max3A_508 = arith.maximumf %max3A_504, %max3A_506 : vector<16xf32>
      %min3A_509 = arith.minimumf %max3A_504, %max3A_506 : vector<16xf32>
      %max3A_510 = arith.maximumf %min3A_505, %min3A_507 : vector<16xf32>
      %min3A_511 = arith.minimumf %min3A_505, %min3A_507 : vector<16xf32>
      %max3A_512 = arith.maximumf %min3A_497, %min3A_501 : vector<16xf32>
      %min3A_513 = arith.minimumf %min3A_497, %min3A_501 : vector<16xf32>
      %max3A_514 = arith.maximumf %min3A_499, %min3A_503 : vector<16xf32>
      %min3A_515 = arith.minimumf %min3A_499, %min3A_503 : vector<16xf32>
      %max3A_516 = arith.maximumf %max3A_512, %max3A_514 : vector<16xf32>
      %min3A_517 = arith.minimumf %max3A_512, %max3A_514 : vector<16xf32>
      %max3A_518 = arith.maximumf %min3A_513, %min3A_515 : vector<16xf32>
      %min3A_519 = arith.minimumf %min3A_513, %min3A_515 : vector<16xf32>
      %max3A_520 = arith.maximumf %get3A_174, %get3A_179 : vector<16xf32>
      %min3A_521 = arith.minimumf %get3A_174, %get3A_179 : vector<16xf32>
      %min3A_522 = arith.minimumf %get3A_184, %get3A_189 : vector<16xf32>
      %max3A_523 = arith.maximumf %get3A_184, %get3A_189 : vector<16xf32>
      %max3A_524 = arith.maximumf %max3A_520, %min3A_522 : vector<16xf32>
      %min3A_525 = arith.minimumf %max3A_520, %min3A_522 : vector<16xf32>
      %max3A_526 = arith.maximumf %min3A_521, %max3A_523 : vector<16xf32>
      %min3A_527 = arith.minimumf %min3A_521, %max3A_523 : vector<16xf32>
      %max3A_528 = arith.maximumf %max3A_524, %max3A_526 : vector<16xf32>
      %min3A_529 = arith.minimumf %max3A_524, %max3A_526 : vector<16xf32>
      %max3A_530 = arith.maximumf %min3A_525, %min3A_527 : vector<16xf32>
      %min3A_531 = arith.minimumf %min3A_525, %min3A_527 : vector<16xf32>
      %max3A_532 = arith.maximumf %get3A_194, %get3A_199 : vector<16xf32>
      %min3A_533 = arith.minimumf %get3A_194, %get3A_199 : vector<16xf32>
      %min3A_534 = arith.minimumf %get3A_204, %get3A_209 : vector<16xf32>
      %max3A_535 = arith.maximumf %get3A_204, %get3A_209 : vector<16xf32>
      %min3A_536 = arith.minimumf %max3A_532, %min3A_534 : vector<16xf32>
      %max3A_537 = arith.maximumf %max3A_532, %min3A_534 : vector<16xf32>
      %min3A_538 = arith.minimumf %min3A_533, %max3A_535 : vector<16xf32>
      %max3A_539 = arith.maximumf %min3A_533, %max3A_535 : vector<16xf32>
      %min3A_540 = arith.minimumf %min3A_536, %min3A_538 : vector<16xf32>
      %max3A_541 = arith.maximumf %min3A_536, %min3A_538 : vector<16xf32>
      %min3A_542 = arith.minimumf %max3A_537, %max3A_539 : vector<16xf32>
      %max3A_543 = arith.maximumf %max3A_537, %max3A_539 : vector<16xf32>
      %max3A_544 = arith.maximumf %max3A_528, %min3A_540 : vector<16xf32>
      %min3A_545 = arith.minimumf %max3A_528, %min3A_540 : vector<16xf32>
      %max3A_546 = arith.maximumf %min3A_529, %max3A_541 : vector<16xf32>
      %min3A_547 = arith.minimumf %min3A_529, %max3A_541 : vector<16xf32>
      %max3A_548 = arith.maximumf %max3A_530, %min3A_542 : vector<16xf32>
      %min3A_549 = arith.minimumf %max3A_530, %min3A_542 : vector<16xf32>
      %max3A_550 = arith.maximumf %min3A_531, %max3A_543 : vector<16xf32>
      %min3A_551 = arith.minimumf %min3A_531, %max3A_543 : vector<16xf32>
      %max3A_552 = arith.maximumf %max3A_544, %max3A_548 : vector<16xf32>
      %min3A_553 = arith.minimumf %max3A_544, %max3A_548 : vector<16xf32>
      %max3A_554 = arith.maximumf %max3A_546, %max3A_550 : vector<16xf32>
      %min3A_555 = arith.minimumf %max3A_546, %max3A_550 : vector<16xf32>
      %max3A_556 = arith.maximumf %max3A_552, %max3A_554 : vector<16xf32>
      %min3A_557 = arith.minimumf %max3A_552, %max3A_554 : vector<16xf32>
      %max3A_558 = arith.maximumf %min3A_553, %min3A_555 : vector<16xf32>
      %min3A_559 = arith.minimumf %min3A_553, %min3A_555 : vector<16xf32>
      %max3A_560 = arith.maximumf %min3A_545, %min3A_549 : vector<16xf32>
      %min3A_561 = arith.minimumf %min3A_545, %min3A_549 : vector<16xf32>
      %max3A_562 = arith.maximumf %min3A_547, %min3A_551 : vector<16xf32>
      %min3A_563 = arith.minimumf %min3A_547, %min3A_551 : vector<16xf32>
      %max3A_564 = arith.maximumf %max3A_560, %max3A_562 : vector<16xf32>
      %min3A_565 = arith.minimumf %max3A_560, %max3A_562 : vector<16xf32>
      %max3A_566 = arith.maximumf %min3A_561, %min3A_563 : vector<16xf32>
      %min3A_567 = arith.minimumf %min3A_561, %min3A_563 : vector<16xf32>
      %max3A_568 = arith.maximumf %get3A_214, %get3A_219 : vector<16xf32>
      %min3A_569 = arith.minimumf %get3A_214, %get3A_219 : vector<16xf32>
      %min3A_570 = arith.minimumf %get3A_224, %get3A_229 : vector<16xf32>
      %max3A_571 = arith.maximumf %get3A_224, %get3A_229 : vector<16xf32>
      %max3A_572 = arith.maximumf %max3A_568, %min3A_570 : vector<16xf32>
      %min3A_573 = arith.minimumf %max3A_568, %min3A_570 : vector<16xf32>
      %max3A_574 = arith.maximumf %min3A_569, %max3A_571 : vector<16xf32>
      %min3A_575 = arith.minimumf %min3A_569, %max3A_571 : vector<16xf32>
      %max3A_576 = arith.maximumf %max3A_572, %max3A_574 : vector<16xf32>
      %min3A_577 = arith.minimumf %max3A_572, %max3A_574 : vector<16xf32>
      %max3A_578 = arith.maximumf %min3A_573, %min3A_575 : vector<16xf32>
      %min3A_579 = arith.minimumf %min3A_573, %min3A_575 : vector<16xf32>
      %max3A_580 = arith.maximumf %get3A_234, %get3A_239 : vector<16xf32>
      %min3A_581 = arith.minimumf %get3A_234, %get3A_239 : vector<16xf32>
      %min3A_582 = arith.minimumf %get3A_244, %get3A_249 : vector<16xf32>
      %max3A_583 = arith.maximumf %get3A_244, %get3A_249 : vector<16xf32>
      %min3A_584 = arith.minimumf %max3A_580, %min3A_582 : vector<16xf32>
      %max3A_585 = arith.maximumf %max3A_580, %min3A_582 : vector<16xf32>
      %min3A_586 = arith.minimumf %min3A_581, %max3A_583 : vector<16xf32>
      %max3A_587 = arith.maximumf %min3A_581, %max3A_583 : vector<16xf32>
      %min3A_588 = arith.minimumf %min3A_584, %min3A_586 : vector<16xf32>
      %max3A_589 = arith.maximumf %min3A_584, %min3A_586 : vector<16xf32>
      %min3A_590 = arith.minimumf %max3A_585, %max3A_587 : vector<16xf32>
      %max3A_591 = arith.maximumf %max3A_585, %max3A_587 : vector<16xf32>
      %max3A_592 = arith.maximumf %max3A_576, %min3A_588 : vector<16xf32>
      %min3A_593 = arith.minimumf %max3A_576, %min3A_588 : vector<16xf32>
      %max3A_594 = arith.maximumf %min3A_577, %max3A_589 : vector<16xf32>
      %min3A_595 = arith.minimumf %min3A_577, %max3A_589 : vector<16xf32>
      %max3A_596 = arith.maximumf %max3A_578, %min3A_590 : vector<16xf32>
      %min3A_597 = arith.minimumf %max3A_578, %min3A_590 : vector<16xf32>
      %max3A_598 = arith.maximumf %min3A_579, %max3A_591 : vector<16xf32>
      %min3A_599 = arith.minimumf %min3A_579, %max3A_591 : vector<16xf32>
      %max3A_600 = arith.maximumf %max3A_592, %max3A_596 : vector<16xf32>
      %min3A_601 = arith.minimumf %max3A_592, %max3A_596 : vector<16xf32>
      %max3A_602 = arith.maximumf %max3A_594, %max3A_598 : vector<16xf32>
      %min3A_603 = arith.minimumf %max3A_594, %max3A_598 : vector<16xf32>
      %max3A_604 = arith.maximumf %max3A_600, %max3A_602 : vector<16xf32>
      %min3A_605 = arith.minimumf %max3A_600, %max3A_602 : vector<16xf32>
      %max3A_606 = arith.maximumf %min3A_601, %min3A_603 : vector<16xf32>
      %min3A_607 = arith.minimumf %min3A_601, %min3A_603 : vector<16xf32>
      %max3A_608 = arith.maximumf %min3A_593, %min3A_597 : vector<16xf32>
      %min3A_609 = arith.minimumf %min3A_593, %min3A_597 : vector<16xf32>
      %max3A_610 = arith.maximumf %min3A_595, %min3A_599 : vector<16xf32>
      %min3A_611 = arith.minimumf %min3A_595, %min3A_599 : vector<16xf32>
      %max3A_612 = arith.maximumf %max3A_608, %max3A_610 : vector<16xf32>
      %min3A_613 = arith.minimumf %max3A_608, %max3A_610 : vector<16xf32>
      %max3A_614 = arith.maximumf %min3A_609, %min3A_611 : vector<16xf32>
      %min3A_615 = arith.minimumf %min3A_609, %min3A_611 : vector<16xf32>
      %max3A_616 = arith.maximumf %get3A_254, %get3A_259 : vector<16xf32>
      %min3A_617 = arith.minimumf %get3A_254, %get3A_259 : vector<16xf32>
      %min3A_618 = arith.minimumf %get3A_264, %get3A_269 : vector<16xf32>
      %max3A_619 = arith.maximumf %get3A_264, %get3A_269 : vector<16xf32>
      %max3A_620 = arith.maximumf %max3A_616, %min3A_618 : vector<16xf32>
      %min3A_621 = arith.minimumf %max3A_616, %min3A_618 : vector<16xf32>
      %max3A_622 = arith.maximumf %min3A_617, %max3A_619 : vector<16xf32>
      %min3A_623 = arith.minimumf %min3A_617, %max3A_619 : vector<16xf32>
      %max3A_624 = arith.maximumf %max3A_620, %max3A_622 : vector<16xf32>
      %min3A_625 = arith.minimumf %max3A_620, %max3A_622 : vector<16xf32>
      %max3A_626 = arith.maximumf %min3A_621, %min3A_623 : vector<16xf32>
      %min3A_627 = arith.minimumf %min3A_621, %min3A_623 : vector<16xf32>
      %max3A_628 = arith.maximumf %get3A_274, %get3A_279 : vector<16xf32>
      %min3A_629 = arith.minimumf %get3A_274, %get3A_279 : vector<16xf32>
      %min3A_630 = arith.minimumf %get3A_284, %get3A_289 : vector<16xf32>
      %max3A_631 = arith.maximumf %get3A_284, %get3A_289 : vector<16xf32>
      %min3A_632 = arith.minimumf %max3A_628, %min3A_630 : vector<16xf32>
      %max3A_633 = arith.maximumf %max3A_628, %min3A_630 : vector<16xf32>
      %min3A_634 = arith.minimumf %min3A_629, %max3A_631 : vector<16xf32>
      %max3A_635 = arith.maximumf %min3A_629, %max3A_631 : vector<16xf32>
      %min3A_636 = arith.minimumf %min3A_632, %min3A_634 : vector<16xf32>
      %max3A_637 = arith.maximumf %min3A_632, %min3A_634 : vector<16xf32>
      %min3A_638 = arith.minimumf %max3A_633, %max3A_635 : vector<16xf32>
      %max3A_639 = arith.maximumf %max3A_633, %max3A_635 : vector<16xf32>
      %max3A_640 = arith.maximumf %max3A_624, %min3A_636 : vector<16xf32>
      %min3A_641 = arith.minimumf %max3A_624, %min3A_636 : vector<16xf32>
      %max3A_642 = arith.maximumf %min3A_625, %max3A_637 : vector<16xf32>
      %min3A_643 = arith.minimumf %min3A_625, %max3A_637 : vector<16xf32>
      %max3A_644 = arith.maximumf %max3A_626, %min3A_638 : vector<16xf32>
      %min3A_645 = arith.minimumf %max3A_626, %min3A_638 : vector<16xf32>
      %max3A_646 = arith.maximumf %min3A_627, %max3A_639 : vector<16xf32>
      %min3A_647 = arith.minimumf %min3A_627, %max3A_639 : vector<16xf32>
      %max3A_648 = arith.maximumf %max3A_640, %max3A_644 : vector<16xf32>
      %min3A_649 = arith.minimumf %max3A_640, %max3A_644 : vector<16xf32>
      %max3A_650 = arith.maximumf %max3A_642, %max3A_646 : vector<16xf32>
      %min3A_651 = arith.minimumf %max3A_642, %max3A_646 : vector<16xf32>
      %max3A_652 = arith.maximumf %max3A_648, %max3A_650 : vector<16xf32>
      %min3A_653 = arith.minimumf %max3A_648, %max3A_650 : vector<16xf32>
      %max3A_654 = arith.maximumf %min3A_649, %min3A_651 : vector<16xf32>
      %min3A_655 = arith.minimumf %min3A_649, %min3A_651 : vector<16xf32>
      %max3A_656 = arith.maximumf %min3A_641, %min3A_645 : vector<16xf32>
      %min3A_657 = arith.minimumf %min3A_641, %min3A_645 : vector<16xf32>
      %max3A_658 = arith.maximumf %min3A_643, %min3A_647 : vector<16xf32>
      %min3A_659 = arith.minimumf %min3A_643, %min3A_647 : vector<16xf32>
      %max3A_660 = arith.maximumf %max3A_656, %max3A_658 : vector<16xf32>
      %min3A_661 = arith.minimumf %max3A_656, %max3A_658 : vector<16xf32>
      %max3A_662 = arith.maximumf %min3A_657, %min3A_659 : vector<16xf32>
      %min3A_663 = arith.minimumf %min3A_657, %min3A_659 : vector<16xf32>
      %max3A_664 = arith.maximumf %get3A_294, %get3A_299 : vector<16xf32>
      %min3A_665 = arith.minimumf %get3A_294, %get3A_299 : vector<16xf32>
      %min3A_666 = arith.minimumf %get3A_304, %get3A_309 : vector<16xf32>
      %max3A_667 = arith.maximumf %get3A_304, %get3A_309 : vector<16xf32>
      %max3A_668 = arith.maximumf %max3A_664, %min3A_666 : vector<16xf32>
      %min3A_669 = arith.minimumf %max3A_664, %min3A_666 : vector<16xf32>
      %max3A_670 = arith.maximumf %min3A_665, %max3A_667 : vector<16xf32>
      %min3A_671 = arith.minimumf %min3A_665, %max3A_667 : vector<16xf32>
      %max3A_672 = arith.maximumf %max3A_668, %max3A_670 : vector<16xf32>
      %min3A_673 = arith.minimumf %max3A_668, %max3A_670 : vector<16xf32>
      %max3A_674 = arith.maximumf %min3A_669, %min3A_671 : vector<16xf32>
      %min3A_675 = arith.minimumf %min3A_669, %min3A_671 : vector<16xf32>
      %max3A_676 = arith.maximumf %get3A_314, %get3A_319 : vector<16xf32>
      %min3A_677 = arith.minimumf %get3A_314, %get3A_319 : vector<16xf32>
      %min3A_678 = arith.minimumf %get3A_324, %get3A_329 : vector<16xf32>
      %max3A_679 = arith.maximumf %get3A_324, %get3A_329 : vector<16xf32>
      %min3A_680 = arith.minimumf %max3A_676, %min3A_678 : vector<16xf32>
      %max3A_681 = arith.maximumf %max3A_676, %min3A_678 : vector<16xf32>
      %min3A_682 = arith.minimumf %min3A_677, %max3A_679 : vector<16xf32>
      %max3A_683 = arith.maximumf %min3A_677, %max3A_679 : vector<16xf32>
      %min3A_684 = arith.minimumf %min3A_680, %min3A_682 : vector<16xf32>
      %max3A_685 = arith.maximumf %min3A_680, %min3A_682 : vector<16xf32>
      %min3A_686 = arith.minimumf %max3A_681, %max3A_683 : vector<16xf32>
      %max3A_687 = arith.maximumf %max3A_681, %max3A_683 : vector<16xf32>
      %max3A_688 = arith.maximumf %max3A_672, %min3A_684 : vector<16xf32>
      %min3A_689 = arith.minimumf %max3A_672, %min3A_684 : vector<16xf32>
      %max3A_690 = arith.maximumf %min3A_673, %max3A_685 : vector<16xf32>
      %min3A_691 = arith.minimumf %min3A_673, %max3A_685 : vector<16xf32>
      %max3A_692 = arith.maximumf %max3A_674, %min3A_686 : vector<16xf32>
      %min3A_693 = arith.minimumf %max3A_674, %min3A_686 : vector<16xf32>
      %max3A_694 = arith.maximumf %min3A_675, %max3A_687 : vector<16xf32>
      %min3A_695 = arith.minimumf %min3A_675, %max3A_687 : vector<16xf32>
      %max3A_696 = arith.maximumf %max3A_688, %max3A_692 : vector<16xf32>
      %min3A_697 = arith.minimumf %max3A_688, %max3A_692 : vector<16xf32>
      %max3A_698 = arith.maximumf %max3A_690, %max3A_694 : vector<16xf32>
      %min3A_699 = arith.minimumf %max3A_690, %max3A_694 : vector<16xf32>
      %max3A_700 = arith.maximumf %max3A_696, %max3A_698 : vector<16xf32>
      %min3A_701 = arith.minimumf %max3A_696, %max3A_698 : vector<16xf32>
      %max3A_702 = arith.maximumf %min3A_697, %min3A_699 : vector<16xf32>
      %min3A_703 = arith.minimumf %min3A_697, %min3A_699 : vector<16xf32>
      %max3A_704 = arith.maximumf %min3A_689, %min3A_693 : vector<16xf32>
      %min3A_705 = arith.minimumf %min3A_689, %min3A_693 : vector<16xf32>
      %max3A_706 = arith.maximumf %min3A_691, %min3A_695 : vector<16xf32>
      %min3A_707 = arith.minimumf %min3A_691, %min3A_695 : vector<16xf32>
      %max3A_708 = arith.maximumf %max3A_704, %max3A_706 : vector<16xf32>
      %min3A_709 = arith.minimumf %max3A_704, %max3A_706 : vector<16xf32>
      %max3A_710 = arith.maximumf %min3A_705, %min3A_707 : vector<16xf32>
      %min3A_711 = arith.minimumf %min3A_705, %min3A_707 : vector<16xf32>
      %max3A_712 = arith.maximumf %max3A_364, %min3A_423 : vector<16xf32>
      %max3A_713 = arith.maximumf %min3A_365, %max3A_422 : vector<16xf32>
      %max3A_714 = arith.maximumf %max3A_366, %min3A_421 : vector<16xf32>
      %max3A_715 = arith.maximumf %min3A_367, %max3A_420 : vector<16xf32>
      %max3A_716 = arith.maximumf %max3A_372, %min3A_415 : vector<16xf32>
      %max3A_717 = arith.maximumf %min3A_373, %max3A_414 : vector<16xf32>
      %max3A_718 = arith.maximumf %max3A_374, %min3A_413 : vector<16xf32>
      %max3A_719 = arith.maximumf %min3A_375, %max3A_412 : vector<16xf32>
      %max3A_720 = arith.maximumf %max3A_712, %max3A_716 : vector<16xf32>
      %min3A_721 = arith.minimumf %max3A_712, %max3A_716 : vector<16xf32>
      %max3A_722 = arith.maximumf %max3A_713, %max3A_717 : vector<16xf32>
      %min3A_723 = arith.minimumf %max3A_713, %max3A_717 : vector<16xf32>
      %max3A_724 = arith.maximumf %max3A_714, %max3A_718 : vector<16xf32>
      %min3A_725 = arith.minimumf %max3A_714, %max3A_718 : vector<16xf32>
      %max3A_726 = arith.maximumf %max3A_715, %max3A_719 : vector<16xf32>
      %min3A_727 = arith.minimumf %max3A_715, %max3A_719 : vector<16xf32>
      %max3A_728 = arith.maximumf %max3A_720, %max3A_724 : vector<16xf32>
      %min3A_729 = arith.minimumf %max3A_720, %max3A_724 : vector<16xf32>
      %max3A_730 = arith.maximumf %max3A_722, %max3A_726 : vector<16xf32>
      %min3A_731 = arith.minimumf %max3A_722, %max3A_726 : vector<16xf32>
      %max3A_732 = arith.maximumf %max3A_728, %max3A_730 : vector<16xf32>
      %min3A_733 = arith.minimumf %max3A_728, %max3A_730 : vector<16xf32>
      %max3A_734 = arith.maximumf %min3A_729, %min3A_731 : vector<16xf32>
      %min3A_735 = arith.minimumf %min3A_729, %min3A_731 : vector<16xf32>
      %max3A_736 = arith.maximumf %min3A_721, %min3A_725 : vector<16xf32>
      %min3A_737 = arith.minimumf %min3A_721, %min3A_725 : vector<16xf32>
      %max3A_738 = arith.maximumf %min3A_723, %min3A_727 : vector<16xf32>
      %min3A_739 = arith.minimumf %min3A_723, %min3A_727 : vector<16xf32>
      %max3A_740 = arith.maximumf %max3A_736, %max3A_738 : vector<16xf32>
      %min3A_741 = arith.minimumf %max3A_736, %max3A_738 : vector<16xf32>
      %max3A_742 = arith.maximumf %min3A_737, %min3A_739 : vector<16xf32>
      %min3A_743 = arith.minimumf %min3A_737, %min3A_739 : vector<16xf32>
      %max3A_744 = arith.maximumf %max3A_460, %min3A_519 : vector<16xf32>
      %max3A_745 = arith.maximumf %min3A_461, %max3A_518 : vector<16xf32>
      %max3A_746 = arith.maximumf %max3A_462, %min3A_517 : vector<16xf32>
      %max3A_747 = arith.maximumf %min3A_463, %max3A_516 : vector<16xf32>
      %max3A_748 = arith.maximumf %max3A_468, %min3A_511 : vector<16xf32>
      %max3A_749 = arith.maximumf %min3A_469, %max3A_510 : vector<16xf32>
      %max3A_750 = arith.maximumf %max3A_470, %min3A_509 : vector<16xf32>
      %max3A_751 = arith.maximumf %min3A_471, %max3A_508 : vector<16xf32>
      %max3A_752 = arith.maximumf %max3A_744, %max3A_748 : vector<16xf32>
      %min3A_753 = arith.minimumf %max3A_744, %max3A_748 : vector<16xf32>
      %max3A_754 = arith.maximumf %max3A_745, %max3A_749 : vector<16xf32>
      %min3A_755 = arith.minimumf %max3A_745, %max3A_749 : vector<16xf32>
      %max3A_756 = arith.maximumf %max3A_746, %max3A_750 : vector<16xf32>
      %min3A_757 = arith.minimumf %max3A_746, %max3A_750 : vector<16xf32>
      %max3A_758 = arith.maximumf %max3A_747, %max3A_751 : vector<16xf32>
      %min3A_759 = arith.minimumf %max3A_747, %max3A_751 : vector<16xf32>
      %max3A_760 = arith.maximumf %max3A_752, %max3A_756 : vector<16xf32>
      %min3A_761 = arith.minimumf %max3A_752, %max3A_756 : vector<16xf32>
      %max3A_762 = arith.maximumf %max3A_754, %max3A_758 : vector<16xf32>
      %min3A_763 = arith.minimumf %max3A_754, %max3A_758 : vector<16xf32>
      %max3A_764 = arith.maximumf %max3A_760, %max3A_762 : vector<16xf32>
      %min3A_765 = arith.minimumf %max3A_760, %max3A_762 : vector<16xf32>
      %max3A_766 = arith.maximumf %min3A_761, %min3A_763 : vector<16xf32>
      %min3A_767 = arith.minimumf %min3A_761, %min3A_763 : vector<16xf32>
      %max3A_768 = arith.maximumf %min3A_753, %min3A_757 : vector<16xf32>
      %min3A_769 = arith.minimumf %min3A_753, %min3A_757 : vector<16xf32>
      %max3A_770 = arith.maximumf %min3A_755, %min3A_759 : vector<16xf32>
      %min3A_771 = arith.minimumf %min3A_755, %min3A_759 : vector<16xf32>
      %max3A_772 = arith.maximumf %max3A_768, %max3A_770 : vector<16xf32>
      %min3A_773 = arith.minimumf %max3A_768, %max3A_770 : vector<16xf32>
      %max3A_774 = arith.maximumf %min3A_769, %min3A_771 : vector<16xf32>
      %min3A_775 = arith.minimumf %min3A_769, %min3A_771 : vector<16xf32>
      %max3A_776 = arith.maximumf %max3A_556, %min3A_615 : vector<16xf32>
      %max3A_777 = arith.maximumf %min3A_557, %max3A_614 : vector<16xf32>
      %max3A_778 = arith.maximumf %max3A_558, %min3A_613 : vector<16xf32>
      %max3A_779 = arith.maximumf %min3A_559, %max3A_612 : vector<16xf32>
      %max3A_780 = arith.maximumf %max3A_564, %min3A_607 : vector<16xf32>
      %max3A_781 = arith.maximumf %min3A_565, %max3A_606 : vector<16xf32>
      %max3A_782 = arith.maximumf %max3A_566, %min3A_605 : vector<16xf32>
      %max3A_783 = arith.maximumf %min3A_567, %max3A_604 : vector<16xf32>
      %max3A_784 = arith.maximumf %max3A_776, %max3A_780 : vector<16xf32>
      %min3A_785 = arith.minimumf %max3A_776, %max3A_780 : vector<16xf32>
      %max3A_786 = arith.maximumf %max3A_777, %max3A_781 : vector<16xf32>
      %min3A_787 = arith.minimumf %max3A_777, %max3A_781 : vector<16xf32>
      %max3A_788 = arith.maximumf %max3A_778, %max3A_782 : vector<16xf32>
      %min3A_789 = arith.minimumf %max3A_778, %max3A_782 : vector<16xf32>
      %max3A_790 = arith.maximumf %max3A_779, %max3A_783 : vector<16xf32>
      %min3A_791 = arith.minimumf %max3A_779, %max3A_783 : vector<16xf32>
      %max3A_792 = arith.maximumf %max3A_784, %max3A_788 : vector<16xf32>
      %min3A_793 = arith.minimumf %max3A_784, %max3A_788 : vector<16xf32>
      %max3A_794 = arith.maximumf %max3A_786, %max3A_790 : vector<16xf32>
      %min3A_795 = arith.minimumf %max3A_786, %max3A_790 : vector<16xf32>
      %max3A_796 = arith.maximumf %max3A_792, %max3A_794 : vector<16xf32>
      %min3A_797 = arith.minimumf %max3A_792, %max3A_794 : vector<16xf32>
      %max3A_798 = arith.maximumf %min3A_793, %min3A_795 : vector<16xf32>
      %min3A_799 = arith.minimumf %min3A_793, %min3A_795 : vector<16xf32>
      %max3A_800 = arith.maximumf %min3A_785, %min3A_789 : vector<16xf32>
      %min3A_801 = arith.minimumf %min3A_785, %min3A_789 : vector<16xf32>
      %max3A_802 = arith.maximumf %min3A_787, %min3A_791 : vector<16xf32>
      %min3A_803 = arith.minimumf %min3A_787, %min3A_791 : vector<16xf32>
      %max3A_804 = arith.maximumf %max3A_800, %max3A_802 : vector<16xf32>
      %min3A_805 = arith.minimumf %max3A_800, %max3A_802 : vector<16xf32>
      %max3A_806 = arith.maximumf %min3A_801, %min3A_803 : vector<16xf32>
      %min3A_807 = arith.minimumf %min3A_801, %min3A_803 : vector<16xf32>
      %max3A_808 = arith.maximumf %max3A_652, %min3A_711 : vector<16xf32>
      %max3A_809 = arith.maximumf %min3A_653, %max3A_710 : vector<16xf32>
      %max3A_810 = arith.maximumf %max3A_654, %min3A_709 : vector<16xf32>
      %max3A_811 = arith.maximumf %min3A_655, %max3A_708 : vector<16xf32>
      %max3A_812 = arith.maximumf %max3A_660, %min3A_703 : vector<16xf32>
      %max3A_813 = arith.maximumf %min3A_661, %max3A_702 : vector<16xf32>
      %max3A_814 = arith.maximumf %max3A_662, %min3A_701 : vector<16xf32>
      %max3A_815 = arith.maximumf %min3A_663, %max3A_700 : vector<16xf32>
      %max3A_816 = arith.maximumf %max3A_808, %max3A_812 : vector<16xf32>
      %min3A_817 = arith.minimumf %max3A_808, %max3A_812 : vector<16xf32>
      %max3A_818 = arith.maximumf %max3A_809, %max3A_813 : vector<16xf32>
      %min3A_819 = arith.minimumf %max3A_809, %max3A_813 : vector<16xf32>
      %max3A_820 = arith.maximumf %max3A_810, %max3A_814 : vector<16xf32>
      %min3A_821 = arith.minimumf %max3A_810, %max3A_814 : vector<16xf32>
      %max3A_822 = arith.maximumf %max3A_811, %max3A_815 : vector<16xf32>
      %min3A_823 = arith.minimumf %max3A_811, %max3A_815 : vector<16xf32>
      %max3A_824 = arith.maximumf %max3A_816, %max3A_820 : vector<16xf32>
      %min3A_825 = arith.minimumf %max3A_816, %max3A_820 : vector<16xf32>
      %max3A_826 = arith.maximumf %max3A_818, %max3A_822 : vector<16xf32>
      %min3A_827 = arith.minimumf %max3A_818, %max3A_822 : vector<16xf32>
      %max3A_828 = arith.maximumf %max3A_824, %max3A_826 : vector<16xf32>
      %min3A_829 = arith.minimumf %max3A_824, %max3A_826 : vector<16xf32>
      %max3A_830 = arith.maximumf %min3A_825, %min3A_827 : vector<16xf32>
      %min3A_831 = arith.minimumf %min3A_825, %min3A_827 : vector<16xf32>
      %max3A_832 = arith.maximumf %min3A_817, %min3A_821 : vector<16xf32>
      %min3A_833 = arith.minimumf %min3A_817, %min3A_821 : vector<16xf32>
      %max3A_834 = arith.maximumf %min3A_819, %min3A_823 : vector<16xf32>
      %min3A_835 = arith.minimumf %min3A_819, %min3A_823 : vector<16xf32>
      %max3A_836 = arith.maximumf %max3A_832, %max3A_834 : vector<16xf32>
      %min3A_837 = arith.minimumf %max3A_832, %max3A_834 : vector<16xf32>
      %max3A_838 = arith.maximumf %min3A_833, %min3A_835 : vector<16xf32>
      %min3A_839 = arith.minimumf %min3A_833, %min3A_835 : vector<16xf32>
      %max3A_840 = arith.maximumf %max3A_732, %min3A_775 : vector<16xf32>
      %max3A_841 = arith.maximumf %min3A_733, %max3A_774 : vector<16xf32>
      %max3A_842 = arith.maximumf %max3A_734, %min3A_773 : vector<16xf32>
      %max3A_843 = arith.maximumf %min3A_735, %max3A_772 : vector<16xf32>
      %max3A_844 = arith.maximumf %max3A_740, %min3A_767 : vector<16xf32>
      %max3A_845 = arith.maximumf %min3A_741, %max3A_766 : vector<16xf32>
      %max3A_846 = arith.maximumf %max3A_742, %min3A_765 : vector<16xf32>
      %max3A_847 = arith.maximumf %min3A_743, %max3A_764 : vector<16xf32>
      %max3A_848 = arith.maximumf %max3A_840, %max3A_844 : vector<16xf32>
      %min3A_849 = arith.minimumf %max3A_840, %max3A_844 : vector<16xf32>
      %max3A_850 = arith.maximumf %max3A_841, %max3A_845 : vector<16xf32>
      %min3A_851 = arith.minimumf %max3A_841, %max3A_845 : vector<16xf32>
      %max3A_852 = arith.maximumf %max3A_842, %max3A_846 : vector<16xf32>
      %min3A_853 = arith.minimumf %max3A_842, %max3A_846 : vector<16xf32>
      %max3A_854 = arith.maximumf %max3A_843, %max3A_847 : vector<16xf32>
      %min3A_855 = arith.minimumf %max3A_843, %max3A_847 : vector<16xf32>
      %max3A_856 = arith.maximumf %max3A_848, %max3A_852 : vector<16xf32>
      %min3A_857 = arith.minimumf %max3A_848, %max3A_852 : vector<16xf32>
      %max3A_858 = arith.maximumf %max3A_850, %max3A_854 : vector<16xf32>
      %min3A_859 = arith.minimumf %max3A_850, %max3A_854 : vector<16xf32>
      %max3A_860 = arith.maximumf %max3A_856, %max3A_858 : vector<16xf32>
      %min3A_861 = arith.minimumf %max3A_856, %max3A_858 : vector<16xf32>
      %max3A_862 = arith.maximumf %min3A_857, %min3A_859 : vector<16xf32>
      %min3A_863 = arith.minimumf %min3A_857, %min3A_859 : vector<16xf32>
      %max3A_864 = arith.maximumf %min3A_849, %min3A_853 : vector<16xf32>
      %min3A_865 = arith.minimumf %min3A_849, %min3A_853 : vector<16xf32>
      %max3A_866 = arith.maximumf %min3A_851, %min3A_855 : vector<16xf32>
      %min3A_867 = arith.minimumf %min3A_851, %min3A_855 : vector<16xf32>
      %max3A_868 = arith.maximumf %max3A_864, %max3A_866 : vector<16xf32>
      %min3A_869 = arith.minimumf %max3A_864, %max3A_866 : vector<16xf32>
      %max3A_870 = arith.maximumf %min3A_865, %min3A_867 : vector<16xf32>
      %min3A_871 = arith.minimumf %min3A_865, %min3A_867 : vector<16xf32>
      %max3A_872 = arith.maximumf %max3A_796, %min3A_839 : vector<16xf32>
      %max3A_873 = arith.maximumf %min3A_797, %max3A_838 : vector<16xf32>
      %max3A_874 = arith.maximumf %max3A_798, %min3A_837 : vector<16xf32>
      %max3A_875 = arith.maximumf %min3A_799, %max3A_836 : vector<16xf32>
      %max3A_876 = arith.maximumf %max3A_804, %min3A_831 : vector<16xf32>
      %max3A_877 = arith.maximumf %min3A_805, %max3A_830 : vector<16xf32>
      %max3A_878 = arith.maximumf %max3A_806, %min3A_829 : vector<16xf32>
      %max3A_879 = arith.maximumf %min3A_807, %max3A_828 : vector<16xf32>
      %max3A_880 = arith.maximumf %max3A_872, %max3A_876 : vector<16xf32>
      %min3A_881 = arith.minimumf %max3A_872, %max3A_876 : vector<16xf32>
      %max3A_882 = arith.maximumf %max3A_873, %max3A_877 : vector<16xf32>
      %min3A_883 = arith.minimumf %max3A_873, %max3A_877 : vector<16xf32>
      %max3A_884 = arith.maximumf %max3A_874, %max3A_878 : vector<16xf32>
      %min3A_885 = arith.minimumf %max3A_874, %max3A_878 : vector<16xf32>
      %max3A_886 = arith.maximumf %max3A_875, %max3A_879 : vector<16xf32>
      %min3A_887 = arith.minimumf %max3A_875, %max3A_879 : vector<16xf32>
      %max3A_888 = arith.maximumf %max3A_880, %max3A_884 : vector<16xf32>
      %min3A_889 = arith.minimumf %max3A_880, %max3A_884 : vector<16xf32>
      %max3A_890 = arith.maximumf %max3A_882, %max3A_886 : vector<16xf32>
      %min3A_891 = arith.minimumf %max3A_882, %max3A_886 : vector<16xf32>
      %max3A_892 = arith.maximumf %max3A_888, %max3A_890 : vector<16xf32>
      %min3A_893 = arith.minimumf %max3A_888, %max3A_890 : vector<16xf32>
      %max3A_894 = arith.maximumf %min3A_889, %min3A_891 : vector<16xf32>
      %min3A_895 = arith.minimumf %min3A_889, %min3A_891 : vector<16xf32>
      %max3A_896 = arith.maximumf %min3A_881, %min3A_885 : vector<16xf32>
      %min3A_897 = arith.minimumf %min3A_881, %min3A_885 : vector<16xf32>
      %max3A_898 = arith.maximumf %min3A_883, %min3A_887 : vector<16xf32>
      %min3A_899 = arith.minimumf %min3A_883, %min3A_887 : vector<16xf32>
      %max3A_900 = arith.maximumf %max3A_896, %max3A_898 : vector<16xf32>
      %min3A_901 = arith.minimumf %max3A_896, %max3A_898 : vector<16xf32>
      %max3A_902 = arith.maximumf %min3A_897, %min3A_899 : vector<16xf32>
      %min3A_903 = arith.minimumf %min3A_897, %min3A_899 : vector<16xf32>
      %max3A_904 = arith.maximumf %max3A_860, %min3A_903 : vector<16xf32>
      %max3A_905 = arith.maximumf %min3A_861, %max3A_902 : vector<16xf32>
      %max3A_906 = arith.maximumf %max3A_862, %min3A_901 : vector<16xf32>
      %max3A_907 = arith.maximumf %min3A_863, %max3A_900 : vector<16xf32>
      %max3A_908 = arith.maximumf %max3A_868, %min3A_895 : vector<16xf32>
      %max3A_909 = arith.maximumf %min3A_869, %max3A_894 : vector<16xf32>
      %max3A_910 = arith.maximumf %max3A_870, %min3A_893 : vector<16xf32>
      %max3A_911 = arith.maximumf %min3A_871, %max3A_892 : vector<16xf32>
      %max3A_912 = arith.maximumf %max3A_904, %max3A_908 : vector<16xf32>
      %min3A_913 = arith.minimumf %max3A_904, %max3A_908 : vector<16xf32>
      %max3A_914 = arith.maximumf %max3A_905, %max3A_909 : vector<16xf32>
      %min3A_915 = arith.minimumf %max3A_905, %max3A_909 : vector<16xf32>
      %max3A_916 = arith.maximumf %max3A_906, %max3A_910 : vector<16xf32>
      %min3A_917 = arith.minimumf %max3A_906, %max3A_910 : vector<16xf32>
      %max3A_918 = arith.maximumf %max3A_907, %max3A_911 : vector<16xf32>
      %min3A_919 = arith.minimumf %max3A_907, %max3A_911 : vector<16xf32>
      %max3A_920 = arith.maximumf %max3A_912, %max3A_916 : vector<16xf32>
      %min3A_921 = arith.minimumf %max3A_912, %max3A_916 : vector<16xf32>
      %max3A_922 = arith.maximumf %max3A_914, %max3A_918 : vector<16xf32>
      %min3A_923 = arith.minimumf %max3A_914, %max3A_918 : vector<16xf32>
      %max3A_924 = arith.maximumf %max3A_920, %max3A_922 : vector<16xf32>
      %min3A_925 = arith.minimumf %max3A_920, %max3A_922 : vector<16xf32>
      %max3A_926 = arith.maximumf %min3A_921, %min3A_923 : vector<16xf32>
      %min3A_927 = arith.minimumf %min3A_921, %min3A_923 : vector<16xf32>
      %max3A_928 = arith.maximumf %min3A_913, %min3A_917 : vector<16xf32>
      %min3A_929 = arith.minimumf %min3A_913, %min3A_917 : vector<16xf32>
      %max3A_930 = arith.maximumf %min3A_915, %min3A_919 : vector<16xf32>
      %min3A_931 = arith.minimumf %min3A_915, %min3A_919 : vector<16xf32>
      %max3A_932 = arith.maximumf %max3A_928, %max3A_930 : vector<16xf32>
      %min3A_933 = arith.minimumf %max3A_928, %max3A_930 : vector<16xf32>
      %max3A_934 = arith.maximumf %min3A_929, %min3A_931 : vector<16xf32>
      %min3A_935 = arith.minimumf %min3A_929, %min3A_931 : vector<16xf32>
      %bitcast_convert_type3A = tpu.bitcast %max3A_924 : vector<16xf32> -> vector<16xi32>
      %and3A = arith.constant 63 : i32
      %and3A_936 = vector.broadcast %and3A : i32 to vector<16xi32>
      %and3A_937 = arith.andi %bitcast_convert_type3A, %and3A_936 : vector<16xi32>
      %ge3A = arith.constant 0 : i32
      %ge3A_938 = vector.broadcast %ge3A : i32 to vector<16xi32>
      %ge3A_939 = arith.cmpi sge, %bitcast_convert_type3A, %ge3A_938 : vector<16xi32>
      %sub3A = arith.constant 63 : i32
      %sub3A_940 = vector.broadcast %sub3A : i32 to vector<16xi32>
      %sub3A_941 = arith.subi %sub3A_940, %and3A_937 : vector<16xi32>
      %select_n3A = arith.select %ge3A_939, %sub3A_941, %and3A_937 : vector<16xi1>, vector<16xi32>
      %and3A_942 = arith.constant -64 : i32
      %and3A_943 = vector.broadcast %and3A_942 : i32 to vector<16xi32>
      %and3A_944 = arith.andi %bitcast_convert_type3A, %and3A_943 : vector<16xi32>
      %bitcast_convert_type3A_945 = tpu.bitcast %and3A_944 : vector<16xi32> -> vector<16xf32>
      %bitcast_convert_type3A_946 = tpu.bitcast %min3A_925 : vector<16xf32> -> vector<16xi32>
      %and3A_947 = arith.constant 63 : i32
      %and3A_948 = vector.broadcast %and3A_947 : i32 to vector<16xi32>
      %and3A_949 = arith.andi %bitcast_convert_type3A_946, %and3A_948 : vector<16xi32>
      %ge3A_950 = arith.constant 0 : i32
      %ge3A_951 = vector.broadcast %ge3A_950 : i32 to vector<16xi32>
      %ge3A_952 = arith.cmpi sge, %bitcast_convert_type3A_946, %ge3A_951 : vector<16xi32>
      %sub3A_953 = arith.constant 63 : i32
      %sub3A_954 = vector.broadcast %sub3A_953 : i32 to vector<16xi32>
      %sub3A_955 = arith.subi %sub3A_954, %and3A_949 : vector<16xi32>
      %select_n3A_956 = arith.select %ge3A_952, %sub3A_955, %and3A_949 : vector<16xi1>, vector<16xi32>
      %and3A_957 = arith.constant -64 : i32
      %and3A_958 = vector.broadcast %and3A_957 : i32 to vector<16xi32>
      %and3A_959 = arith.andi %bitcast_convert_type3A_946, %and3A_958 : vector<16xi32>
      %bitcast_convert_type3A_960 = tpu.bitcast %and3A_959 : vector<16xi32> -> vector<16xf32>
      %bitcast_convert_type3A_961 = tpu.bitcast %max3A_926 : vector<16xf32> -> vector<16xi32>
      %and3A_962 = arith.constant 63 : i32
      %and3A_963 = vector.broadcast %and3A_962 : i32 to vector<16xi32>
      %and3A_964 = arith.andi %bitcast_convert_type3A_961, %and3A_963 : vector<16xi32>
      %ge3A_965 = arith.constant 0 : i32
      %ge3A_966 = vector.broadcast %ge3A_965 : i32 to vector<16xi32>
      %ge3A_967 = arith.cmpi sge, %bitcast_convert_type3A_961, %ge3A_966 : vector<16xi32>
      %sub3A_968 = arith.constant 63 : i32
      %sub3A_969 = vector.broadcast %sub3A_968 : i32 to vector<16xi32>
      %sub3A_970 = arith.subi %sub3A_969, %and3A_964 : vector<16xi32>
      %select_n3A_971 = arith.select %ge3A_967, %sub3A_970, %and3A_964 : vector<16xi1>, vector<16xi32>
      %and3A_972 = arith.constant -64 : i32
      %and3A_973 = vector.broadcast %and3A_972 : i32 to vector<16xi32>
      %and3A_974 = arith.andi %bitcast_convert_type3A_961, %and3A_973 : vector<16xi32>
      %bitcast_convert_type3A_975 = tpu.bitcast %and3A_974 : vector<16xi32> -> vector<16xf32>
      %bitcast_convert_type3A_976 = tpu.bitcast %min3A_927 : vector<16xf32> -> vector<16xi32>
      %and3A_977 = arith.constant 63 : i32
      %and3A_978 = vector.broadcast %and3A_977 : i32 to vector<16xi32>
      %and3A_979 = arith.andi %bitcast_convert_type3A_976, %and3A_978 : vector<16xi32>
      %ge3A_980 = arith.constant 0 : i32
      %ge3A_981 = vector.broadcast %ge3A_980 : i32 to vector<16xi32>
      %ge3A_982 = arith.cmpi sge, %bitcast_convert_type3A_976, %ge3A_981 : vector<16xi32>
      %sub3A_983 = arith.constant 63 : i32
      %sub3A_984 = vector.broadcast %sub3A_983 : i32 to vector<16xi32>
      %sub3A_985 = arith.subi %sub3A_984, %and3A_979 : vector<16xi32>
      %select_n3A_986 = arith.select %ge3A_982, %sub3A_985, %and3A_979 : vector<16xi1>, vector<16xi32>
      %and3A_987 = arith.constant -64 : i32
      %and3A_988 = vector.broadcast %and3A_987 : i32 to vector<16xi32>
      %and3A_989 = arith.andi %bitcast_convert_type3A_976, %and3A_988 : vector<16xi32>
      %bitcast_convert_type3A_990 = tpu.bitcast %and3A_989 : vector<16xi32> -> vector<16xf32>
      %bitcast_convert_type3A_991 = tpu.bitcast %max3A_932 : vector<16xf32> -> vector<16xi32>
      %and3A_992 = arith.constant 63 : i32
      %and3A_993 = vector.broadcast %and3A_992 : i32 to vector<16xi32>
      %and3A_994 = arith.andi %bitcast_convert_type3A_991, %and3A_993 : vector<16xi32>
      %ge3A_995 = arith.constant 0 : i32
      %ge3A_996 = vector.broadcast %ge3A_995 : i32 to vector<16xi32>
      %ge3A_997 = arith.cmpi sge, %bitcast_convert_type3A_991, %ge3A_996 : vector<16xi32>
      %sub3A_998 = arith.constant 63 : i32
      %sub3A_999 = vector.broadcast %sub3A_998 : i32 to vector<16xi32>
      %sub3A_1000 = arith.subi %sub3A_999, %and3A_994 : vector<16xi32>
      %select_n3A_1001 = arith.select %ge3A_997, %sub3A_1000, %and3A_994 : vector<16xi1>, vector<16xi32>
      %and3A_1002 = arith.constant -64 : i32
      %and3A_1003 = vector.broadcast %and3A_1002 : i32 to vector<16xi32>
      %and3A_1004 = arith.andi %bitcast_convert_type3A_991, %and3A_1003 : vector<16xi32>
      %bitcast_convert_type3A_1005 = tpu.bitcast %and3A_1004 : vector<16xi32> -> vector<16xf32>
      %bitcast_convert_type3A_1006 = tpu.bitcast %min3A_933 : vector<16xf32> -> vector<16xi32>
      %and3A_1007 = arith.constant 63 : i32
      %and3A_1008 = vector.broadcast %and3A_1007 : i32 to vector<16xi32>
      %and3A_1009 = arith.andi %bitcast_convert_type3A_1006, %and3A_1008 : vector<16xi32>
      %ge3A_1010 = arith.constant 0 : i32
      %ge3A_1011 = vector.broadcast %ge3A_1010 : i32 to vector<16xi32>
      %ge3A_1012 = arith.cmpi sge, %bitcast_convert_type3A_1006, %ge3A_1011 : vector<16xi32>
      %sub3A_1013 = arith.constant 63 : i32
      %sub3A_1014 = vector.broadcast %sub3A_1013 : i32 to vector<16xi32>
      %sub3A_1015 = arith.subi %sub3A_1014, %and3A_1009 : vector<16xi32>
      %select_n3A_1016 = arith.select %ge3A_1012, %sub3A_1015, %and3A_1009 : vector<16xi1>, vector<16xi32>
      %and3A_1017 = arith.constant -64 : i32
      %and3A_1018 = vector.broadcast %and3A_1017 : i32 to vector<16xi32>
      %and3A_1019 = arith.andi %bitcast_convert_type3A_1006, %and3A_1018 : vector<16xi32>
      %bitcast_convert_type3A_1020 = tpu.bitcast %and3A_1019 : vector<16xi32> -> vector<16xf32>
      %bitcast_convert_type3A_1021 = tpu.bitcast %max3A_934 : vector<16xf32> -> vector<16xi32>
      %and3A_1022 = arith.constant 63 : i32
      %and3A_1023 = vector.broadcast %and3A_1022 : i32 to vector<16xi32>
      %and3A_1024 = arith.andi %bitcast_convert_type3A_1021, %and3A_1023 : vector<16xi32>
      %ge3A_1025 = arith.constant 0 : i32
      %ge3A_1026 = vector.broadcast %ge3A_1025 : i32 to vector<16xi32>
      %ge3A_1027 = arith.cmpi sge, %bitcast_convert_type3A_1021, %ge3A_1026 : vector<16xi32>
      %sub3A_1028 = arith.constant 63 : i32
      %sub3A_1029 = vector.broadcast %sub3A_1028 : i32 to vector<16xi32>
      %sub3A_1030 = arith.subi %sub3A_1029, %and3A_1024 : vector<16xi32>
      %select_n3A_1031 = arith.select %ge3A_1027, %sub3A_1030, %and3A_1024 : vector<16xi1>, vector<16xi32>
      %and3A_1032 = arith.constant -64 : i32
      %and3A_1033 = vector.broadcast %and3A_1032 : i32 to vector<16xi32>
      %and3A_1034 = arith.andi %bitcast_convert_type3A_1021, %and3A_1033 : vector<16xi32>
      %bitcast_convert_type3A_1035 = tpu.bitcast %and3A_1034 : vector<16xi32> -> vector<16xf32>
      %bitcast_convert_type3A_1036 = tpu.bitcast %min3A_935 : vector<16xf32> -> vector<16xi32>
      %and3A_1037 = arith.constant 63 : i32
      %and3A_1038 = vector.broadcast %and3A_1037 : i32 to vector<16xi32>
      %and3A_1039 = arith.andi %bitcast_convert_type3A_1036, %and3A_1038 : vector<16xi32>
      %ge3A_1040 = arith.constant 0 : i32
      %ge3A_1041 = vector.broadcast %ge3A_1040 : i32 to vector<16xi32>
      %ge3A_1042 = arith.cmpi sge, %bitcast_convert_type3A_1036, %ge3A_1041 : vector<16xi32>
      %sub3A_1043 = arith.constant 63 : i32
      %sub3A_1044 = vector.broadcast %sub3A_1043 : i32 to vector<16xi32>
      %sub3A_1045 = arith.subi %sub3A_1044, %and3A_1039 : vector<16xi32>
      %select_n3A_1046 = arith.select %ge3A_1042, %sub3A_1045, %and3A_1039 : vector<16xi1>, vector<16xi32>
      %and3A_1047 = arith.constant -64 : i32
      %and3A_1048 = vector.broadcast %and3A_1047 : i32 to vector<16xi32>
      %and3A_1049 = arith.andi %bitcast_convert_type3A_1036, %and3A_1048 : vector<16xi32>
      %bitcast_convert_type3A_1050 = tpu.bitcast %and3A_1049 : vector<16xi32> -> vector<16xf32>
      %sub3A_1051 = arith.subf %bitcast_convert_type3A_945, %bitcast_convert_type3A_945 : vector<16xf32>
      %exp3A = math.exp %sub3A_1051 : vector<16xf32>
      %sub3A_1052 = arith.subf %bitcast_convert_type3A_960, %bitcast_convert_type3A_945 : vector<16xf32>
      %exp3A_1053 = math.exp %sub3A_1052 : vector<16xf32>
      %sub3A_1054 = arith.subf %bitcast_convert_type3A_975, %bitcast_convert_type3A_945 : vector<16xf32>
      %exp3A_1055 = math.exp %sub3A_1054 : vector<16xf32>
      %sub3A_1056 = arith.subf %bitcast_convert_type3A_990, %bitcast_convert_type3A_945 : vector<16xf32>
      %exp3A_1057 = math.exp %sub3A_1056 : vector<16xf32>
      %sub3A_1058 = arith.subf %bitcast_convert_type3A_1005, %bitcast_convert_type3A_945 : vector<16xf32>
      %exp3A_1059 = math.exp %sub3A_1058 : vector<16xf32>
      %sub3A_1060 = arith.subf %bitcast_convert_type3A_1020, %bitcast_convert_type3A_945 : vector<16xf32>
      %exp3A_1061 = math.exp %sub3A_1060 : vector<16xf32>
      %sub3A_1062 = arith.subf %bitcast_convert_type3A_1035, %bitcast_convert_type3A_945 : vector<16xf32>
      %exp3A_1063 = math.exp %sub3A_1062 : vector<16xf32>
      %sub3A_1064 = arith.subf %bitcast_convert_type3A_1050, %bitcast_convert_type3A_945 : vector<16xf32>
      %exp3A_1065 = math.exp %sub3A_1064 : vector<16xf32>
      %add3A_1066 = arith.addf %exp3A, %exp3A_1053 : vector<16xf32>
      %add3A_1067 = arith.addf %add3A_1066, %exp3A_1055 : vector<16xf32>
      %add3A_1068 = arith.addf %add3A_1067, %exp3A_1057 : vector<16xf32>
      %add3A_1069 = arith.addf %add3A_1068, %exp3A_1059 : vector<16xf32>
      %add3A_1070 = arith.addf %add3A_1069, %exp3A_1061 : vector<16xf32>
      %add3A_1071 = arith.addf %add3A_1070, %exp3A_1063 : vector<16xf32>
      %add3A_1072 = arith.addf %add3A_1071, %exp3A_1065 : vector<16xf32>
      %div3A = arith.divf %exp3A, %add3A_1072 : vector<16xf32>
      %swap3A = arith.constant 0 : i32
      %swap3A_1073 = arith.index_cast %swap3A : i32 to index
      %swap3A_1074 = arith.index_cast %mul3A_10 : i32 to index
      %swap3A_1075 = tpu.vector_load %arg6[%swap3A_1073, %swap3A_1074] {strides = array<i32>} : memref<8x256xf32, #tpu.memory_space<vmem>>, vector<1x16xf32>,
      %swap3A_1076 = vector.shape_cast %swap3A_1075 : vector<1x16xf32> to vector<16xf32>
      %swap3A_1077 = vector.shape_cast %div3A : vector<16xf32> to vector<1x16xf32>
      tpu.vector_store %arg6[%swap3A_1073, %swap3A_1074], %swap3A_1077 {strides = array<i32>} : memref<8x256xf32, #tpu.memory_space<vmem>>, vector<1x16xf32>,
      %swap3A_1078 = arith.constant 0 : i32
      %swap3A_1079 = arith.index_cast %swap3A_1078 : i32 to index
      %swap3A_1080 = arith.index_cast %mul3A_10 : i32 to index
      %swap3A_1081 = tpu.vector_load %arg7[%swap3A_1079, %swap3A_1080] {strides = array<i32>} : memref<8x256xi32, #tpu.memory_space<vmem>>, vector<1x16xi32>,
      %swap3A_1082 = vector.shape_cast %swap3A_1081 : vector<1x16xi32> to vector<16xi32>
      %swap3A_1083 = vector.shape_cast %select_n3A : vector<16xi32> to vector<1x16xi32>
      tpu.vector_store %arg7[%swap3A_1079, %swap3A_1080], %swap3A_1083 {strides = array<i32>} : memref<8x256xi32, #tpu.memory_space<vmem>>, vector<1x16xi32>,
      %div3A_1084 = arith.divf %exp3A_1053, %add3A_1072 : vector<16xf32>
      %swap3A_1085 = arith.constant 1 : i32
      %swap3A_1086 = arith.index_cast %swap3A_1085 : i32 to index
      %swap3A_1087 = arith.index_cast %mul3A_10 : i32 to index
      %swap3A_1088 = tpu.vector_load %arg6[%swap3A_1086, %swap3A_1087] {strides = array<i32>} : memref<8x256xf32, #tpu.memory_space<vmem>>, vector<1x16xf32>,
      %swap3A_1089 = vector.shape_cast %swap3A_1088 : vector<1x16xf32> to vector<16xf32>
      %swap3A_1090 = vector.shape_cast %div3A_1084 : vector<16xf32> to vector<1x16xf32>
      tpu.vector_store %arg6[%swap3A_1086, %swap3A_1087], %swap3A_1090 {strides = array<i32>} : memref<8x256xf32, #tpu.memory_space<vmem>>, vector<1x16xf32>,
      %swap3A_1091 = arith.constant 1 : i32
      %swap3A_1092 = arith.index_cast %swap3A_1091 : i32 to index
      %swap3A_1093 = arith.index_cast %mul3A_10 : i32 to index
      %swap3A_1094 = tpu.vector_load %arg7[%swap3A_1092, %swap3A_1093] {strides = array<i32>} : memref<8x256xi32, #tpu.memory_space<vmem>>, vector<1x16xi32>,
      %swap3A_1095 = vector.shape_cast %swap3A_1094 : vector<1x16xi32> to vector<16xi32>
      %swap3A_1096 = vector.shape_cast %select_n3A_956 : vector<16xi32> to vector<1x16xi32>
      tpu.vector_store %arg7[%swap3A_1092, %swap3A_1093], %swap3A_1096 {strides = array<i32>} : memref<8x256xi32, #tpu.memory_space<vmem>>, vector<1x16xi32>,
      %div3A_1097 = arith.divf %exp3A_1055, %add3A_1072 : vector<16xf32>
      %swap3A_1098 = arith.constant 2 : i32
      %swap3A_1099 = arith.index_cast %swap3A_1098 : i32 to index
      %swap3A_1100 = arith.index_cast %mul3A_10 : i32 to index
      %swap3A_1101 = tpu.vector_load %arg6[%swap3A_1099, %swap3A_1100] {strides = array<i32>} : memref<8x256xf32, #tpu.memory_space<vmem>>, vector<1x16xf32>,
      %swap3A_1102 = vector.shape_cast %swap3A_1101 : vector<1x16xf32> to vector<16xf32>
      %swap3A_1103 = vector.shape_cast %div3A_1097 : vector<16xf32> to vector<1x16xf32>
      tpu.vector_store %arg6[%swap3A_1099, %swap3A_1100], %swap3A_1103 {strides = array<i32>} : memref<8x256xf32, #tpu.memory_space<vmem>>, vector<1x16xf32>,
      %swap3A_1104 = arith.constant 2 : i32
      %swap3A_1105 = arith.index_cast %swap3A_1104 : i32 to index
      %swap3A_1106 = arith.index_cast %mul3A_10 : i32 to index
      %swap3A_1107 = tpu.vector_load %arg7[%swap3A_1105, %swap3A_1106] {strides = array<i32>} : memref<8x256xi32, #tpu.memory_space<vmem>>, vector<1x16xi32>,
      %swap3A_1108 = vector.shape_cast %swap3A_1107 : vector<1x16xi32> to vector<16xi32>
      %swap3A_1109 = vector.shape_cast %select_n3A_971 : vector<16xi32> to vector<1x16xi32>
      tpu.vector_store %arg7[%swap3A_1105, %swap3A_1106], %swap3A_1109 {strides = array<i32>} : memref<8x256xi32, #tpu.memory_space<vmem>>, vector<1x16xi32>,
      %div3A_1110 = arith.divf %exp3A_1057, %add3A_1072 : vector<16xf32>
      %swap3A_1111 = arith.constant 3 : i32
      %swap3A_1112 = arith.index_cast %swap3A_1111 : i32 to index
      %swap3A_1113 = arith.index_cast %mul3A_10 : i32 to index
      %swap3A_1114 = tpu.vector_load %arg6[%swap3A_1112, %swap3A_1113] {strides = array<i32>} : memref<8x256xf32, #tpu.memory_space<vmem>>, vector<1x16xf32>,
      %swap3A_1115 = vector.shape_cast %swap3A_1114 : vector<1x16xf32> to vector<16xf32>
      %swap3A_1116 = vector.shape_cast %div3A_1110 : vector<16xf32> to vector<1x16xf32>
      tpu.vector_store %arg6[%swap3A_1112, %swap3A_1113], %swap3A_1116 {strides = array<i32>} : memref<8x256xf32, #tpu.memory_space<vmem>>, vector<1x16xf32>,
      %swap3A_1117 = arith.constant 3 : i32
      %swap3A_1118 = arith.index_cast %swap3A_1117 : i32 to index
      %swap3A_1119 = arith.index_cast %mul3A_10 : i32 to index
      %swap3A_1120 = tpu.vector_load %arg7[%swap3A_1118, %swap3A_1119] {strides = array<i32>} : memref<8x256xi32, #tpu.memory_space<vmem>>, vector<1x16xi32>,
      %swap3A_1121 = vector.shape_cast %swap3A_1120 : vector<1x16xi32> to vector<16xi32>
      %swap3A_1122 = vector.shape_cast %select_n3A_986 : vector<16xi32> to vector<1x16xi32>
      tpu.vector_store %arg7[%swap3A_1118, %swap3A_1119], %swap3A_1122 {strides = array<i32>} : memref<8x256xi32, #tpu.memory_space<vmem>>, vector<1x16xi32>,
      %div3A_1123 = arith.divf %exp3A_1059, %add3A_1072 : vector<16xf32>
      %swap3A_1124 = arith.constant 4 : i32
      %swap3A_1125 = arith.index_cast %swap3A_1124 : i32 to index
      %swap3A_1126 = arith.index_cast %mul3A_10 : i32 to index
      %swap3A_1127 = tpu.vector_load %arg6[%swap3A_1125, %swap3A_1126] {strides = array<i32>} : memref<8x256xf32, #tpu.memory_space<vmem>>, vector<1x16xf32>,
      %swap3A_1128 = vector.shape_cast %swap3A_1127 : vector<1x16xf32> to vector<16xf32>
      %swap3A_1129 = vector.shape_cast %div3A_1123 : vector<16xf32> to vector<1x16xf32>
      tpu.vector_store %arg6[%swap3A_1125, %swap3A_1126], %swap3A_1129 {strides = array<i32>} : memref<8x256xf32, #tpu.memory_space<vmem>>, vector<1x16xf32>,
      %swap3A_1130 = arith.constant 4 : i32
      %swap3A_1131 = arith.index_cast %swap3A_1130 : i32 to index
      %swap3A_1132 = arith.index_cast %mul3A_10 : i32 to index
      %swap3A_1133 = tpu.vector_load %arg7[%swap3A_1131, %swap3A_1132] {strides = array<i32>} : memref<8x256xi32, #tpu.memory_space<vmem>>, vector<1x16xi32>,
      %swap3A_1134 = vector.shape_cast %swap3A_1133 : vector<1x16xi32> to vector<16xi32>
      %swap3A_1135 = vector.shape_cast %select_n3A_1001 : vector<16xi32> to vector<1x16xi32>
      tpu.vector_store %arg7[%swap3A_1131, %swap3A_1132], %swap3A_1135 {strides = array<i32>} : memref<8x256xi32, #tpu.memory_space<vmem>>, vector<1x16xi32>,
      %div3A_1136 = arith.divf %exp3A_1061, %add3A_1072 : vector<16xf32>
      %swap3A_1137 = arith.constant 5 : i32
      %swap3A_1138 = arith.index_cast %swap3A_1137 : i32 to index
      %swap3A_1139 = arith.index_cast %mul3A_10 : i32 to index
      %swap3A_1140 = tpu.vector_load %arg6[%swap3A_1138, %swap3A_1139] {strides = array<i32>} : memref<8x256xf32, #tpu.memory_space<vmem>>, vector<1x16xf32>,
      %swap3A_1141 = vector.shape_cast %swap3A_1140 : vector<1x16xf32> to vector<16xf32>
      %swap3A_1142 = vector.shape_cast %div3A_1136 : vector<16xf32> to vector<1x16xf32>
      tpu.vector_store %arg6[%swap3A_1138, %swap3A_1139], %swap3A_1142 {strides = array<i32>} : memref<8x256xf32, #tpu.memory_space<vmem>>, vector<1x16xf32>,
      %swap3A_1143 = arith.constant 5 : i32
      %swap3A_1144 = arith.index_cast %swap3A_1143 : i32 to index
      %swap3A_1145 = arith.index_cast %mul3A_10 : i32 to index
      %swap3A_1146 = tpu.vector_load %arg7[%swap3A_1144, %swap3A_1145] {strides = array<i32>} : memref<8x256xi32, #tpu.memory_space<vmem>>, vector<1x16xi32>,
      %swap3A_1147 = vector.shape_cast %swap3A_1146 : vector<1x16xi32> to vector<16xi32>
      %swap3A_1148 = vector.shape_cast %select_n3A_1016 : vector<16xi32> to vector<1x16xi32>
      tpu.vector_store %arg7[%swap3A_1144, %swap3A_1145], %swap3A_1148 {strides = array<i32>} : memref<8x256xi32, #tpu.memory_space<vmem>>, vector<1x16xi32>,
      %div3A_1149 = arith.divf %exp3A_1063, %add3A_1072 : vector<16xf32>
      %swap3A_1150 = arith.constant 6 : i32
      %swap3A_1151 = arith.index_cast %swap3A_1150 : i32 to index
      %swap3A_1152 = arith.index_cast %mul3A_10 : i32 to index
      %swap3A_1153 = tpu.vector_load %arg6[%swap3A_1151, %swap3A_1152] {strides = array<i32>} : memref<8x256xf32, #tpu.memory_space<vmem>>, vector<1x16xf32>,
      %swap3A_1154 = vector.shape_cast %swap3A_1153 : vector<1x16xf32> to vector<16xf32>
      %swap3A_1155 = vector.shape_cast %div3A_1149 : vector<16xf32> to vector<1x16xf32>
      tpu.vector_store %arg6[%swap3A_1151, %swap3A_1152], %swap3A_1155 {strides = array<i32>} : memref<8x256xf32, #tpu.memory_space<vmem>>, vector<1x16xf32>,
      %swap3A_1156 = arith.constant 6 : i32
      %swap3A_1157 = arith.index_cast %swap3A_1156 : i32 to index
      %swap3A_1158 = arith.index_cast %mul3A_10 : i32 to index
      %swap3A_1159 = tpu.vector_load %arg7[%swap3A_1157, %swap3A_1158] {strides = array<i32>} : memref<8x256xi32, #tpu.memory_space<vmem>>, vector<1x16xi32>,
      %swap3A_1160 = vector.shape_cast %swap3A_1159 : vector<1x16xi32> to vector<16xi32>
      %swap3A_1161 = vector.shape_cast %select_n3A_1031 : vector<16xi32> to vector<1x16xi32>
      tpu.vector_store %arg7[%swap3A_1157, %swap3A_1158], %swap3A_1161 {strides = array<i32>} : memref<8x256xi32, #tpu.memory_space<vmem>>, vector<1x16xi32>,
      %div3A_1162 = arith.divf %exp3A_1065, %add3A_1072 : vector<16xf32>
      %swap3A_1163 = arith.constant 7 : i32
      %swap3A_1164 = arith.index_cast %swap3A_1163 : i32 to index
      %swap3A_1165 = arith.index_cast %mul3A_10 : i32 to index
      %swap3A_1166 = tpu.vector_load %arg6[%swap3A_1164, %swap3A_1165] {strides = array<i32>} : memref<8x256xf32, #tpu.memory_space<vmem>>, vector<1x16xf32>,
      %swap3A_1167 = vector.shape_cast %swap3A_1166 : vector<1x16xf32> to vector<16xf32>
      %swap3A_1168 = vector.shape_cast %div3A_1162 : vector<16xf32> to vector<1x16xf32>
      tpu.vector_store %arg6[%swap3A_1164, %swap3A_1165], %swap3A_1168 {strides = array<i32>} : memref<8x256xf32, #tpu.memory_space<vmem>>, vector<1x16xf32>,
      %swap3A_1169 = arith.constant 7 : i32
      %swap3A_1170 = arith.index_cast %swap3A_1169 : i32 to index
      %swap3A_1171 = arith.index_cast %mul3A_10 : i32 to index
      %swap3A_1172 = tpu.vector_load %arg7[%swap3A_1170, %swap3A_1171] {strides = array<i32>} : memref<8x256xi32, #tpu.memory_space<vmem>>, vector<1x16xi32>,
      %swap3A_1173 = vector.shape_cast %swap3A_1172 : vector<1x16xi32> to vector<16xi32>
      %swap3A_1174 = vector.shape_cast %select_n3A_1046 : vector<16xi32> to vector<1x16xi32>
      tpu.vector_store %arg7[%swap3A_1170, %swap3A_1171], %swap3A_1174 {strides = array<i32>} : memref<8x256xi32, #tpu.memory_space<vmem>>, vector<1x16xi32>,
    }
    %scan3A_7 = arith.constant 16 : i32
    "tpu.region"() ({
      %run_scoped3A = tpu.sem_alloc : memref<!tpu.dma_semaphore, #tpu.memory_space<semaphore_mem>>
      %dma_start3A = arith.constant 0 : i32
      %dma_start3A_8 = tpu.memref_slice %arg3[%dma_start3A, %mul3A_2] : memref<8x8192xf32, #tpu.memory_space<hbm>> -> memref<8x256xf32, #tpu.memory_space<hbm>>
      %dma_start3A_9 = arith.constant 0 : i32
      %dma_start3A_10 = tpu.memref_slice %arg3[%dma_start3A_9, %mul3A_2] : memref<8x8192xf32, #tpu.memory_space<hbm>> -> memref<8x256xf32, #tpu.memory_space<hbm>>
      tpu.enqueue_dma source(%arg6 : memref<8x256xf32, #tpu.memory_space<vmem>>) target(%dma_start3A_10 : memref<8x256xf32, #tpu.memory_space<hbm>>) target_semaphore(%run_scoped3A : memref<!tpu.dma_semaphore, #tpu.memory_space<semaphore_mem>>)
      %dma_wait3A = arith.constant 0 : i32
      %dma_wait3A_11 = tpu.memref_slice %arg3[%dma_wait3A, %mul3A_2] : memref<8x8192xf32, #tpu.memory_space<hbm>> -> memref<8x256xf32, #tpu.memory_space<hbm>>
      %dma_wait3A_12 = arith.constant 0 : i32
      %dma_wait3A_13 = tpu.memref_slice %arg3[%dma_wait3A_12, %mul3A_2] : memref<8x8192xf32, #tpu.memory_space<hbm>> -> memref<8x256xf32, #tpu.memory_space<hbm>>
      tpu.wait_dma2 semaphore(%run_scoped3A : memref<!tpu.dma_semaphore, #tpu.memory_space<semaphore_mem>>) src(%arg6 : memref<8x256xf32, #tpu.memory_space<vmem>>) dst(%dma_wait3A_13 : memref<8x256xf32, #tpu.memory_space<hbm>>)
      tpu.yield
    }) : () -> ()
    "tpu.region"() ({
      %run_scoped3A = tpu.sem_alloc : memref<!tpu.dma_semaphore, #tpu.memory_space<semaphore_mem>>
      %dma_start3A = arith.constant 0 : i32
      %dma_start3A_8 = tpu.memref_slice %arg4[%dma_start3A, %mul3A_2] : memref<8x8192xi32, #tpu.memory_space<hbm>> -> memref<8x256xi32, #tpu.memory_space<hbm>>
      %dma_start3A_9 = arith.constant 0 : i32
      %dma_start3A_10 = tpu.memref_slice %arg4[%dma_start3A_9, %mul3A_2] : memref<8x8192xi32, #tpu.memory_space<hbm>> -> memref<8x256xi32, #tpu.memory_space<hbm>>
      tpu.enqueue_dma source(%arg7 : memref<8x256xi32, #tpu.memory_space<vmem>>) target(%dma_start3A_10 : memref<8x256xi32, #tpu.memory_space<hbm>>) target_semaphore(%run_scoped3A : memref<!tpu.dma_semaphore, #tpu.memory_space<semaphore_mem>>)
      %dma_wait3A = arith.constant 0 : i32
      %dma_wait3A_11 = tpu.memref_slice %arg4[%dma_wait3A, %mul3A_2] : memref<8x8192xi32, #tpu.memory_space<hbm>> -> memref<8x256xi32, #tpu.memory_space<hbm>>
      %dma_wait3A_12 = arith.constant 0 : i32
      %dma_wait3A_13 = tpu.memref_slice %arg4[%dma_wait3A_12, %mul3A_2] : memref<8x8192xi32, #tpu.memory_space<hbm>> -> memref<8x256xi32, #tpu.memory_space<hbm>>
      tpu.wait_dma2 semaphore(%run_scoped3A : memref<!tpu.dma_semaphore, #tpu.memory_space<semaphore_mem>>) src(%arg7 : memref<8x256xi32, #tpu.memory_space<vmem>>) dst(%dma_wait3A_13 : memref<8x256xi32, #tpu.memory_space<hbm>>)
      tpu.yield
    }) : () -> ()
    return
  }
}

module attributes {stable_mosaic.version = 14 : i64} {
  func.func @_score_kernel(%arg0: i32, %arg1: memref<1024x2048xf32, #tpu.memory_space<vmem>>, %arg2: memref<2048x64xf32, #tpu.memory_space<vmem>>, %arg3: memref<1x64xf32, #tpu.memory_space<vmem>>, %arg4: memref<64x1024xf32, #tpu.memory_space<vmem>>) attributes {dimension_semantics = [#tpu.dimension_semantics<arbitrary>], iteration_bounds = array<i64: 8>, scalar_prefetch = 0 : i64, scratch_operands = 0 : i64, tpu.core_type = #tpu.core_type<tc>, window_params = [{transform_indices = @transform_0, window_bounds = array<i64: 1024, 2048>}, {pipeline_mode = #tpu.pipeline_mode<synchronous>, transform_indices = @transform_1, window_bounds = array<i64: 2048, 64>}, {pipeline_mode = #tpu.pipeline_mode<synchronous>, transform_indices = @transform_2, window_bounds = array<i64: 1, 64>}, {transform_indices = @transform_3, window_bounds = array<i64: 64, 1024>}]} {
    %get3A = arith.constant 0 : index
    %get3A_0 = arith.constant 0 : index
    %get3A_1 = vector.load %arg1[%get3A, %get3A_0] : memref<1024x2048xf32, #tpu.memory_space<vmem>>, vector<1024x2048xf32>
    %get3A_2 = arith.constant 0 : index
    %get3A_3 = arith.constant 0 : index
    %get3A_4 = vector.load %arg2[%get3A_2, %get3A_3] : memref<2048x64xf32, #tpu.memory_space<vmem>>, vector<2048x64xf32>
    %dot_general3A = arith.constant dense<0.000000e+00> : vector<1024x64xf32>
    %dot_general3A_5 = tpu.matmul %get3A_1, %get3A_4, %dot_general3A {dimension_numbers = #tpu.dot_dimension_numbers<[1], [0], [0], [1], [0, 0, 1, 1], [], []>, transpose_lhs_hint = false} : vector<1024x2048xf32>, vector<2048x64xf32>, vector<1024x64xf32> -> vector<1024x64xf32>
    %get3A_6 = arith.constant 0 : index
    %get3A_7 = arith.constant 0 : index
    %get3A_8 = vector.load %arg3[%get3A_6, %get3A_7] : memref<1x64xf32, #tpu.memory_space<vmem>>, vector<1x64xf32>
    %add3A = vector.broadcast %get3A_8 : vector<1x64xf32> to vector<1024x64xf32>
    %add3A_9 = arith.addf %dot_general3A_5, %add3A : vector<1024x64xf32>
    %iota3A = tpu.iota {dimensions = array<i32: 1>} : vector<1024x64xi32>
    %bitcast_convert_type3A = tpu.bitcast %add3A_9 : vector<1024x64xf32> -> vector<1024x64xi32>
    %ge3A = arith.constant 0 : i32
    %ge3A_10 = vector.broadcast %ge3A : i32 to vector<1024x64xi32>
    %ge3A_11 = arith.cmpi sge, %bitcast_convert_type3A, %ge3A_10 : vector<1024x64xi32>
    %sub3A = arith.constant 63 : i32
    %sub3A_12 = vector.broadcast %sub3A : i32 to vector<1024x64xi32>
    %sub3A_13 = arith.subi %sub3A_12, %iota3A : vector<1024x64xi32>
    %select_n3A = arith.select %ge3A_11, %sub3A_13, %iota3A : vector<1024x64xi1>, vector<1024x64xi32>
    %and3A = arith.constant -64 : i32
    %and3A_14 = vector.broadcast %and3A : i32 to vector<1024x64xi32>
    %and3A_15 = arith.andi %bitcast_convert_type3A, %and3A_14 : vector<1024x64xi32>
    %or3A = arith.ori %and3A_15, %select_n3A : vector<1024x64xi32>
    %bitcast_convert_type3A_16 = tpu.bitcast %or3A : vector<1024x64xi32> -> vector<1024x64xf32>
    %transpose3A = tpu.transpose %bitcast_convert_type3A_16, [1, 0] : vector<1024x64xf32> -> vector<64x1024xf32>
    %swap3A = arith.constant 0 : index
    %swap3A_17 = arith.constant 0 : index
    %swap3A_18 = vector.load %arg4[%swap3A, %swap3A_17] : memref<64x1024xf32, #tpu.memory_space<vmem>>, vector<64x1024xf32>
    tpu.vector_store %arg4[%swap3A, %swap3A_17], %transpose3A {strides = array<i32>} : memref<64x1024xf32, #tpu.memory_space<vmem>>, vector<64x1024xf32>,
    return
  }
  func.func @transform_0(%arg0: i32) -> (i32, i32) {
    %c0_i32 = arith.constant 0 : i32
    %c0_i32_0 = arith.constant 0 : i32
    return %arg0, %c0_i32 : i32, i32
  }
  func.func @transform_1(%arg0: i32) -> (i32, i32) {
    %c0_i32 = arith.constant 0 : i32
    %c0_i32_0 = arith.constant 0 : i32
    %c0_i32_1 = arith.constant 0 : i32
    return %c0_i32, %c0_i32_0 : i32, i32
  }
  func.func @transform_2(%arg0: i32) -> (i32, i32) {
    %c0_i32 = arith.constant 0 : i32
    %c0_i32_0 = arith.constant 0 : i32
    %c0_i32_1 = arith.constant 0 : i32
    return %c0_i32, %c0_i32_0 : i32, i32
  }
  func.func @transform_3(%arg0: i32) -> (i32, i32) {
    %c0_i32 = arith.constant 0 : i32
    %c0_i32_0 = arith.constant 0 : i32
    return %c0_i32, %arg0 : i32, i32
  }
}

</mosaic_0001>

<sc_bundles>
// kernel: kernel.4.cloned.1.call-start
scs
__scs_entry_jumppad:
0x0: {  	(pc) =	sbr.rel $0x88, $3  }
0x1: {  	(tag) =	ssettag $0x0;
	lr =	simm.s32 $0x1  }
0x2: {  	[smem:$0x3F9E] =	sst lr;
	_ =	strace $0xD0000000  }
0x3: {  	_ = 	snop  }
0x4: {  	_ = 	snop  }
0x5: {  	_ = 	snop  }
0x6: {  	_ = 	snop  }
0x7: {  	_ = 	snop  }
__scs_overlays_trampoline_lowered:
0x8: {  	[smem:$0x3FAD] =	sst s0  }
0x9: {  	[smem:$0x3FAE] =	sst s1  }
0xa: {  	[smem:$0x3FAF] =	sst s2  }
0xb: {  	[smem:$0x3FB0] =	sst s3  }
0xc: {  	[smem:$0x3FB1] =	sst s4  }
0xd: {  	[smem:$0x3FB2] =	sst s5  }
0xe: {  	[smem:$0x3FB3] =	sst s6  }
0xf: {  	[smem:$0x3FB4] =	sst s7  }
0x10: {  	[smem:$0x3FB5] =	sst s8  }
0x11: {  	[smem:$0x3FB6] =	sst s9;
	s0 =	simm.s32 @!p0 $0x0  }
0x12: {  	s1 =	sld [smem:$0x3F9C];
	s0 =	simm.s32 @p0 $0x1  }
0x13: {  	[smem:$0x3FB7] =	sst s0;
	s0 =	simm.s32 @!p1 $0x0  }
0x14: {  	s2 =	sld [smem:$0x3F9B];
	s0 =	simm.s32 @p1 $0x1  }
0x15: {  	[smem:$0x3FB8] =	sst s0;
	s0 =	simm.s32 @!p2 $0x0  }
0x16: {  	s3 =	sld [smem:$0x3FDB];
	s0 =	simm.s32 @p2 $0x1  }
0x17: {  	s4 =	simm.s32 $0x1BF5;
	[smem:$0x3FBA] =	sst s0  }
0x18: {  	s0 =	sld [smem:$0x3F9D];
	_ =	swait.ge [sflag:s4], $0x0  }
0x19: {  	s7 =	sld [smem:$0x3F9E]  }
0x1a: {  	s8 =	sadd.s32 $0xFFFFE003, lr  }
0x1b: {  	s9 =	sadd.s32 $0xFFFFFEF7, lr;
	s5 =	simm.s32 $0xFFFFFFFF;
	p2 =	slt.u32 s8, $0xFFFFF086  }
0x1c: {  	p1 =	slt.u32 s9, $0xF7A;
	s5 =	simm.s32 @!p2 $0x0  }
0x1d: {  	s5 =	simm.s32 @p1 $0x1;
	p0 =	seq.s32 s7, s2  }
0x1e: {  	s7 =	smul.u32 @!p0 $0xF7A, s2;
	p2 =	seq.s32 @!p0 s5, $0x0  }
0x1f: {  	s9 =	smul.u32 $0xF7A, s1;
	s8 =	simm.s32 @!p0 $0x1BF5;
	p2 =	por !p2, p0  }
0x20: {  	[sflag:s8] =	ssyncset.s32 @!p0 $0xFFFFF086;
	s6 =	sadd.s32 @!p0 s3, s7;
	s7 =	simm.s32 @!p0 $0x108  }
0x21: {  	s3 =	sadd.s32 s3, s9;
	s6 =	sadd.s32 @!p0 $0x88, s6;
	s7 =	simm.s32 @p2 $0x1082  }
0x22: {  	[simem:s7], [sflag:s8] =	dma.local @!p0 [hbm:s6], $0xF7A  }
0x23: {  	s9 =	sor.u32 $0xD0000000, s2;
	s6 =	simm.s32 $0x108;
	_ =	swait.ge @!p0 [sflag:s8], $0x0  }
0x24: {  	s3 =	sadd.s32 $0x88, s3;
	s6 =	simm.s32 @!p1 $0x1082;
	[sflag:s4] =	ssyncset.s32 $0xFFFFF086  }
0x25: {  	[simem:s6], [sflag:s4] =	dma.local [hbm:s3], $0xF7A  }
0x26: {  	[smem:$0x3F9E] =	sst s1;
	(tag) =	ssettag s2;
	_ =	strace s9  }
0x27: {  	s1 =	sld [smem:$0x3FAE]  }
0x28: {  	s2 =	sld [smem:$0x3FAF]  }
0x29: {  	s4 =	sld [smem:$0x3FB1]  }
0x2a: {  	p0 =	seq.s32 s5, $0x0;
	s5 =	sld [smem:$0x3FB2]  }
0x2b: {  	s6 =	sld [smem:$0x3FB3]  }
0x2c: {  	s7 =	sld [smem:$0x3FB4]  }
0x2d: {  	s3 =	simm.s32 $0x108;
	s8 =	sld [smem:$0x3FB5]  }
0x2e: {  	s3 =	simm.s32 @!p0 $0x1082;
	s9 =	sld [smem:$0x3FB6]  }
0x2f: {  	lr =	sadd.s32 s0, s3;
	s0 =	sld [smem:$0x3FAD]  }
0x30: {  	s3 =	sld [smem:$0x3FB0]  }
0x31: {  	[smem:$0x3FB9] =	sst s10  }
0x32: {  	s10 =	sld [smem:$0x3FB7];
	_ =	sdelay $0x3  }
0x33: {  	p0 =	seq.s32 s10, $0x1;
	s10 =	sld [smem:$0x3FB9];
	_ =	sdelay $0x3  }
0x34: {  	[smem:$0x3FB9] =	sst s10  }
0x35: {  	s10 =	sld [smem:$0x3FB8];
	_ =	sdelay $0x3  }
0x36: {  	p1 =	seq.s32 s10, $0x1;
	s10 =	sld [smem:$0x3FB9];
	_ =	sdelay $0x3  }
0x37: {  	[smem:$0x3FB9] =	sst s10  }
0x38: {  	s10 =	sld [smem:$0x3FBA]  }
0x39: {  	_ = 	snop;
	(pc) =	sbr.ind lr, $3  }
0x3a: {  	_ = 	snop  }
0x3b: {  	_ = 	snop  }
0x3c: {  	p2 =	seq.s32 s10, $0x1;
	s10 =	sld [smem:$0x3FB9]  }
0x3d: {  	_ =	shalt  }
0x3e: {  	_ =	shalt  }
0x3f: {  	_ =	shalt  }
0x40: {  	_ =	shalt  }
0x41: {  	_ =	shalt  }
0x42: {  	_ =	shalt  }
0x43: {  	_ =	shalt  }
0x44: {  	_ =	shalt  }
0x45: {  	_ =	shalt  }
0x46: {  	_ =	shalt  }
0x47: {  	_ =	shalt  }
0x48: {  	_ =	shalt  }
0x49: {  	_ =	shalt  }
0x4a: {  	_ =	shalt  }
0x4b: {  	_ =	shalt  }
0x4c: {  	_ =	shalt  }
0x4d: {  	_ =	shalt  }
0x4e: {  	_ =	shalt  }
0x4f: {  	_ =	shalt  }
0x50: {  	_ =	shalt  }
0x51: {  	_ =	shalt  }
0x52: {  	_ =	shalt  }
0x53: {  	_ =	shalt  }
0x54: {  	_ =	shalt  }
0x55: {  	_ =	shalt  }
0x56: {  	_ =	shalt  }
0x57: {  	_ =	shalt  }
0x58: {  	_ =	shalt  }
0x59: {  	_ =	shalt  }
0x5a: {  	_ =	shalt  }
0x5b: {  	_ =	shalt  }
0x5c: {  	_ =	shalt  }
0x5d: {  	_ =	shalt  }
0x5e: {  	_ =	shalt  }
0x5f: {  	_ =	shalt  }
0x60: {  	_ =	shalt  }
0x61: {  	_ =	shalt  }
0x62: {  	_ =	shalt  }
0x63: {  	_ =	shalt  }
0x64: {  	_ =	shalt  }
0x65: {  	_ =	shalt  }
0x66: {  	_ =	shalt  }
0x67: {  	_ =	shalt  }
0x68: {  	_ =	shalt  }
0x69: {  	_ =	shalt  }
0x6a: {  	_ =	shalt  }
0x6b: {  	_ =	shalt  }
0x6c: {  	_ =	shalt  }
0x6d: {  	_ =	shalt  }
0x6e: {  	_ =	shalt  }
0x6f: {  	_ =	shalt  }
0x70: {  	_ =	shalt  }
0x71: {  	_ =	shalt  }
0x72: {  	_ =	shalt  }
0x73: {  	_ =	shalt  }
0x74: {  	_ =	shalt  }
0x75: {  	_ =	shalt  }
0x76: {  	_ =	shalt  }
0x77: {  	_ =	shalt  }
0x78: {  	_ =	shalt  }
0x79: {  	_ =	shalt  }
0x7a: {  	_ =	shalt  }
0x7b: {  	_ =	shalt  }
0x7c: {  	_ =	shalt  }
0x7d: {  	_ =	shalt  }
0x7e: {  	_ =	shalt  }
0x7f: {  	_ =	shalt  }
0x80: {  	_ =	shalt  }
0x81: {  	_ =	shalt  }
0x82: {  	_ =	shalt  }
0x83: {  	_ =	shalt  }
0x84: {  	_ =	shalt  }
0x85: {  	_ =	shalt  }
0x86: {  	_ =	shalt  }
0x87: {  	_ =	shalt  }
.Lfunc_end0:
.L_simem_size_0:
called_computation_lowered:
.L_overlay_start_0:
0x88: {  	s2 =	sld [smem:$0x3FD9]  }
0x89: {  	s3 =	sld [smem:$0x3FFE];
	_ =	sdelay $0x1  }
0x8a: {  	s1 =	srdreg.scid  }
0x8b: {  	s0 =	sand.u32 $0x1, s1  }
0x8c: {  	s14 =	sshll.u32 s0, $0xA;
	s2 =	sadd.s32 s3, s2  }
0x8d: {  	s2 =	sadd.s32 s2, s14  }
0x8e: {  	[smem:$0x3FC5] =	sst s2  }
0x8f: {  	_ = 	snop  }
0x90: {  	s2 =	sld [smem:$0x3FD0];
	_ =	sdelay $0x2  }
0x91: {  	s15 =	simm.s32 $0xA;
	s4 =	simm.s32 $0x10  }
0x92: {  	[smem:s4], [sflag:s15] =	dma.local [hbm:s2], $0x1  }
0x93: {  	_ =	swait.eq [sflag:s15], $0x1  }
0x94: {  	[sflag:s15] =	ssyncset.done $0x0  }
0x95: {  	s16 =	sld [smem:$0x10];
	[sflag:s15] =	ssyncadd.s32 $0xFFFFFFFF  }
0x96: {  	s17 =	sld [smem:$0x11];
	(tm) =	ssettm $0x1  }
0x97: {  	s18 =	sld [smem:$0x3FFB];
	_ =	sdelay $0x3  }
0x98: {  	_ =	strace s18  }
0x99: {  	s4 =	sld [smem:$0x3FFC];
	_ =	sdelay $0x3  }
0x9a: {  	_ =	strace s4  }
0x9b: {  	s4 =	sld [smem:$0x3FFD];
	_ =	sdelay $0x3  }
0x9c: {  	_ =	strace s4  }
0x9d: {  	_ =	strace $0x8FFFFFFF  }
0x9e: {  	s19 =	sld [smem:$0x3FDB];
	_ =	sdelay $0x1  }
0x9f: {  	s5 =	simm.s32 $_scs_section_size  }
0xa0: {  	s6 =	simm.s32 $_size__tile_overlayer_lowered;
	s7 =	simm.s32 $_tile_overlayer_lowered  }
0xa1: {  	s22 =	simm.s32 $0x1BFF;
	s21 =	sshll.u32 s7, $0x1;
	s4 =	sadd.s32 s5, s19  }
0xa2: {  	s8 =	simm.s32 $0x0;
	s20 =	sshll.u32 s6, $0x1;
	s6 =	sadd.s32 s21, s4  }
0xa3: {  	[timem:s8], [sflag:s22] =	dma.local [hbm:s6], s20  }
0xa4: {  	_ =	swait.ge [sflag:s22], s20  }
0xa5: {  	s5 =	ssub.s32 $0x0, s20;
	[sflag:s22] =	ssyncset.done $0x0  }
0xa6: {  	[sflag:s22] =	ssyncadd.s32 s5;
	_ =	sdelay $0x1  }
0xa7: {  	s23 =	simm.s32 $0x1B8B  }
0xa8: {  	_ =	swait.ge [sflag:s23], $0x1  }
0xa9: {  	[sflag:s23] =	ssyncset.done $0x0  }
0xaa: {  	s25 =	simm.s32 $0x1B8E;
	s24 =	sld [smem:$0x3FFE];
	[sflag:s23] =	ssyncadd.s32 $0xFFFFFFFF  }
0xab: {  	s26 =	simm.s32 $execute0_lowered;
	[smem:$0x3FD2] =	sst s25  }
0xac: {  	s6 =	sshll.u32 s26, $0x1;
	_ =	strace $0x80000046;
	[dreg:$0x1] =	wrdreg $0xFFFFFFFF  }
0xad: {  	s28 =	simm.s32 $_size_execute0_lowered;
	s4 =	sadd.s32 s4, s6;
	[dreg:$0x0] =	wrdreg $0x0  }
0xae: {  	s6 =	sshll.u32 s28, $0x1;
	[dreg:$0x2] =	wrdreg s4  }
0xaf: {  	[dreg:$0x3] =	wrdreg s6  }
0xb0: {  	[dreg:$0x4] =	wrdreg $0xC0  }
0xb1: {  	_ =	task [dreg:s8], $0x5FFFF  }
0xb2: {  	[dreg:$0x1] =	wrdreg $0xFFFFFFFF  }
0xb3: {  	[dreg:$0x0] =	wrdreg $0x60  }
0xb4: {  	[dreg:$0x2] =	wrdreg s24  }
0xb5: {  	[dreg:$0x3] =	wrdreg s16  }
0xb6: {  	[dreg:$0x4] =	wrdreg s17  }
0xb7: {  	[dreg:$0x5] =	wrdreg $0x9  }
0xb8: {  	_ =	task.clear_ibuf [dreg:s8], $0x6FFFF;
	_ =	strace $0x90000046  }
0xb9: {  	s29 =	simm.s32 $0x9;
	_ =	strace $0x80000048  }
0xba: {  	_ =	swait.ge [sflag:s29], $0x1  }
0xbb: {  	[sflag:s29] =	ssyncadd.s32 $0xFFFFFFFF  }
0xbc: {  	_ =	strace $0x90000048  }
0xbd: {  	_ =	sfence  }
0xbe: {  	s30 =	sld [smem:$0x0];
	_ =	sdelay $0x2  }
0xbf: {  	s31 =	sshll.u32 s1, $0xD;
	s1 =	sshrl.u32 s1, $0x2  }
0xc0: {  	s3 =	sand.u32 $0x4000, s31;
	s1 =	sadd.s32 s1, s30  }
0xc1: {  	s0 =	sor.u32 s3, s0;
	s1 =	sshll.u32 s1, $0x11  }
0xc2: {  	s0 =	sor.u32 s1, s0  }
0xc3: {  	s0 =	sadd.s32 $0x8F2B, s0  }
0xc4: {  	[sflag:s0] =	ssyncadd.remote.s32 $0x1  }
0xc5: {  	_ =	sfence.sel $0xFFFF  }
0xc6: {  	[dreg:$0x0] =	wrdreg $0xFFFFFFFF;
	(pc) =	sbr.abs _section_cstart, $3  }
0xc7: {  	[dreg:$0x1] =	wrdreg $0xFFFFFFFF  }
0xc8: {  	_ =	task.clear_ibuf [dreg:s8], $0x2FFFF;
	_ =	strace $0x9FFFFFFF  }
0xc9: {  	(tm) =	ssettm $0x7FFFFFFF  }
tec
execute0_lowered:
.L_overlay_start_1:
0x0: {  	(tag) =	ssettag $0x1  }
0x1: {  	s3 =	rddreg [dreg:$0x0]  }
0x2: {  	s4 =	rddreg [dreg:$0x1];
	s0 =	srdreg.scid  }
0x3: {  	s5 =	rddreg [dreg:$0x2];
	s1 =	stileid.u32;
	s2 =	simm.s32 $0x0  }
0x4: {  	s9 =	simm.s32 $0x1;
	s10 =	simm.s32 $0x4000;
	s11 =	simm.s32 $0x4800  }
0x5: {  	s12 =	simm.s32 $0x0;
	s6 =	sand.u32 $0x1, s0;
	s0 =	rddreg [dreg:$0x3]  }
0x6: {  	s7 =	sshll.u32 s1, $0x9;
	[smem:$0x7FF] =	sst s2;
	s8 =	sshll.u32 s6, $0x8  }
0x7: {  	s6 =	ssub.s32 $0x2, s6;
	_ =	strace $0x80000047;
	s7 =	sor.u32 s8, s7  }
0x8: {  	s31 =	sshrl.u32 s6, $0x1;
	s8 =	simm.s32 $0x10000;
	s3 =	sadd.s32 s7, s3  }
0x9: {  	s6 =	ssub.s32 s6, s31;
	s4 =	sadd.s32 s4, s7;
	s5 =	sadd.s32 s5, s7  }
0xa: {  	s7 =	simm.s32 $0x800;
	s3 =	sadd.s32 $0xC00, s3;
	s6 =	smax.u32 s6, $0x1  }
.LBB2_1:
0xb: {  	[tilespmem:s2], [sflag:$0x1] =	stream.strided.gather [hbm4b:s3+s7], $0x4000, s8, s7, $0x38;
	[tilespmem:$0x5000] =	vst v63  }
0xc: {  	_ =	swait.ge [sflag:s9], $0x4000  }
0xd: {  	[sflag:s9] =	ssyncset.done $0x0  }
0xe: {  	s13 =	simm.s32 $0x0;
	s14 =	simm.s32 $0x0;
	[sflag:s9] =	ssyncadd.s32 $0xFFFFC000  }
.LBB2_2:
0xf: {  	s15 =	sand.u32 $0x70, s14;
	s17 =	sand.u32 $0x400, s13  }
0x10: {  	s15 =	sor.u32 s15, s17  }
0x11: {  	v0 =	vld [tilespmem:s15+$0x0]  }
0x12: {  	v2 =	vld [tilespmem:s15+$0x100]  }
0x13: {  	v4 =	vld [tilespmem:s15+$0x200]  }
0x14: {  	v6 =	vld [tilespmem:s15+$0x300]  }
0x15: {  	v55 =	vld [tilespmem:s15+$0x800]  }
0x16: {  	v10 =	vld [tilespmem:s15+$0x880]  }
0x17: {  	v11 =	vld [tilespmem:s15+$0x900]  }
0x18: {  	v13 =	vld [tilespmem:s15+$0x980]  }
0x19: {  	v14 =	vld [tilespmem:s15+$0xA00]  }
0x1a: {  	v15 =	vld [tilespmem:s15+$0xA80]  }
0x1b: {  	v16 =	vld [tilespmem:s15+$0xB00]  }
0x1c: {  	s16 =	sand.u32 $0xFFFFFC00, s13;
	v17 =	vld [tilespmem:s15+$0xB80]  }
0x1d: {  	s16 =	sadd.s32 s16, s14;
	v33 =	vld [tilespmem:s15+$0x1000]  }
0x1e: {  	s19 =	sor.u32 $0x80, s16;
	v18 =	vld [tilespmem:s15+$0x1080]  }
0x1f: {  	s18 =	sor.u32 $0x180, s16;
	v1 =	vld [tilespmem:s19+$0x0]  }
0x20: {  	s31 =	sor.u32 s13, s14;
	s30 =	sor.u32 $0x280, s16;
	v3 =	vld [tilespmem:s18+$0x0]  }
0x21: {  	s16 =	sor.u32 $0x380, s31;
	v5 =	vld [tilespmem:s30+$0x0]  }
0x22: {  	v7 =	vld [tilespmem:s16+$0x0];
	v19 =	vmax.f32 v55, v10;
	v20 =	vmin.f32 v11, v13  }
0x23: {  	v21 =	vmax.f32 v11, v13;
	v26 =	vmax.f32 v14, v15;
	v27 =	vmin.f32 v16, v17  }
0x24: {  	v14 =	vmin.f32 v14, v15;
	v28 =	vmax.f32 v16, v17;
	v42 =	vmax.f32 v33, v18  }
0x25: {  	v17 =	vmin.f32 v33, v18;
	v8 =	vmax.f32 v0, v1;
	v9 =	vmin.f32 v2, v3  }
0x26: {  	v0 =	vmin.f32 v0, v1;
	v43 =	vmax.f32 v2, v3;
	v49 =	vmax.f32 v4, v5  }
0x27: {  	v50 =	vmin.f32 v6, v7;
	v4 =	vmin.f32 v4, v5;
	v51 =	vmax.f32 v6, v7  }
0x28: {  	v22 =	vmax.f32 v19, v20;
	v29 =	vmin.f32 v26, v27;
	v30 =	vmin.f32 v14, v28  }
0x29: {  	v14 =	vmax.f32 v14, v28;
	v44 =	vmax.f32 v8, v9;
	v45 =	vmin.f32 v8, v9  }
0x2a: {  	v46 =	vmax.f32 v0, v43;
	v0 =	vmin.f32 v0, v43;
	v52 =	vmin.f32 v49, v50  }
0x2b: {  	v3 =	vmax.f32 v49, v50;
	v7 =	vmin.f32 v4, v51;
	v4 =	vmax.f32 v4, v51  }
0x2c: {  	v9 =	vmin.f32 v55, v10;
	v31 =	vmin.f32 v29, v30;
	v13 =	vmax.f32 v29, v30  }
0x2d: {  	v47 =	vmax.f32 v44, v46;
	v2 =	vmin.f32 v44, v46;
	v48 =	vmax.f32 v45, v0  }
0x2e: {  	v0 =	vmin.f32 v45, v0;
	v53 =	vmin.f32 v52, v7;
	v6 =	vmax.f32 v52, v7  }
0x2f: {  	v54 =	vmin.f32 v3, v4;
	v3 =	vmax.f32 v3, v4;
	v23 =	vmax.f32 v9, v21  }
0x30: {  	v9 =	vmin.f32 v9, v21;
	v56 =	vmax.f32 v47, v53;
	v5 =	vmin.f32 v47, v53  }
0x31: {  	v57 =	vmax.f32 v2, v6;
	v6 =	vmin.f32 v2, v6;
	v58 =	vmax.f32 v48, v54  }
0x32: {  	v7 =	vmin.f32 v48, v54;
	v59 =	vmax.f32 v0, v3;
	v12 =	vmin.f32 v0, v3  }
0x33: {  	v24 =	vmax.f32 v22, v23;
	v11 =	vmin.f32 v22, v23;
	v60 =	vmax.f32 v56, v58  }
0x34: {  	v4 =	vmin.f32 v56, v58;
	v61 =	vmax.f32 v57, v59;
	v8 =	vmin.f32 v57, v59  }
0x35: {  	v0 =	vmax.f32 v5, v7;
	v7 =	vmin.f32 v5, v7;
	v1 =	vmax.f32 v6, v12  }
0x36: {  	v12 =	vmin.f32 v6, v12;
	v34 =	vmax.f32 v24, v31;
	v15 =	vmin.f32 v24, v31  }
0x37: {  	v22 =	vld [tilespmem:s15+$0x1200];
	v35 =	vmax.f32 v11, v13;
	v13 =	vmin.f32 v11, v13;
	v62 =	vmax.f32 v60, v61  }
0x38: {  	v23 =	vld [tilespmem:s15+$0x1280];
	v63 =	vmin.f32 v60, v61;
	v2 =	vmax.f32 v4, v8;
	v3 =	vmin.f32 v4, v8  }
0x39: {  	v4 =	vmax.f32 v0, v1;
	v5 =	vmin.f32 v0, v1;
	v8 =	vmin.f32 v19, v20  }
0x3a: {  	v29 =	vld [tilespmem:s15+$0x1980];
	v25 =	vmax.f32 v8, v9;
	v8 =	vmin.f32 v8, v9;
	v9 =	vmax.f32 v26, v27  }
0x3b: {  	v30 =	vld [tilespmem:s15+$0x1A00];
	v6 =	vmax.f32 v7, v12;
	v7 =	vmin.f32 v7, v12;
	v32 =	vmin.f32 v9, v14  }
0x3c: {  	v21 =	vld [tilespmem:s15+$0x1180];
	v9 =	vmax.f32 v9, v14;
	v36 =	vmax.f32 v25, v32;
	v12 =	vmin.f32 v25, v32  }
0x3d: {  	v54 =	vld [tilespmem:s15+$0x1800];
	v37 =	vmax.f32 v8, v9;
	v20 =	vmin.f32 v8, v9;
	v48 =	vmax.f32 v22, v23  }
0x3e: {  	v19 =	vld [tilespmem:s15+$0x1100];
	v22 =	vmin.f32 v22, v23;
	v38 =	vmax.f32 v34, v36;
	v11 =	vmin.f32 v34, v36  }
0x3f: {  	v31 =	vld [tilespmem:s15+$0x1A80];
	v39 =	vmax.f32 v35, v37;
	v16 =	vmin.f32 v35, v37;
	v40 =	vmax.f32 v15, v12  }
0x40: {  	v26 =	vld [tilespmem:s15+$0x1880];
	v15 =	vmin.f32 v15, v12;
	v24 =	vmax.f32 v13, v20;
	v20 =	vmin.f32 v13, v20  }
0x41: {  	v27 =	vld [tilespmem:s15+$0x1900];
	v8 =	vmax.f32 v38, v39;
	v9 =	vmin.f32 v38, v39;
	v10 =	vmax.f32 v11, v16  }
0x42: {  	v11 =	vmin.f32 v11, v16;
	v12 =	vmax.f32 v40, v24;
	v13 =	vmin.f32 v40, v24  }
0x43: {  	v14 =	vmax.f32 v15, v20;
	v15 =	vmin.f32 v15, v20;
	v43 =	vmin.f32 v19, v21  }
0x44: {  	v41 =	vld [tilespmem:s15+$0x1300];
	v44 =	vmax.f32 v19, v21;
	v39 =	vmax.f32 v30, v31;
	v30 =	vmin.f32 v30, v31  }
0x45: {  	[tilespmem:$0x1FFF0] =	vst v63;
	v63 =	vld [tilespmem:s15+$0x1B80];
	v45 =	vmax.f32 v42, v43;
	v20 =	vmin.f32 v42, v43;
	v21 =	vmax.f32 v17, v44  }
0x46: {  	v25 =	vld [tilespmem:s15+$0x1380];
	v17 =	vmin.f32 v17, v44;
	v0 =	vmax.f32 v54, v26;
	v1 =	vmin.f32 v27, v29  }
0x47: {  	v32 =	vld [tilespmem:s15+$0x1B00];
	v35 =	vmax.f32 v27, v29;
	v2 =	vmax.f32 v2, v13;
	v3 =	vmax.f32 v3, v12  }
0x48: {  	v4 =	vmax.f32 v4, v11;
	v5 =	vmax.f32 v5, v10;
	v6 =	vmax.f32 v6, v9  }
0x49: {  	v7 =	vmax.f32 v7, v8;
	v46 =	vmax.f32 v45, v21;
	v19 =	vmin.f32 v45, v21  }
0x4a: {  	v47 =	vmax.f32 v20, v17;
	v17 =	vmin.f32 v20, v17;
	v36 =	vmax.f32 v0, v1  }
0x4b: {  	v49 =	vmin.f32 v41, v25;
	v16 =	vmax.f32 v41, v25;
	v25 =	vmin.f32 v54, v26  }
0x4c: {  	v40 =	vmin.f32 v32, v63;
	v50 =	vmin.f32 v48, v49;
	v20 =	vmax.f32 v48, v49  }
0x4d: {  	v34 =	vld [tilespmem:s15+$0x2080];
	v51 =	vmin.f32 v22, v16;
	v16 =	vmax.f32 v22, v16;
	v29 =	vmax.f32 v25, v35  }
0x4e: {  	v44 =	vld [tilespmem:s15+$0x2000];
	v25 =	vmin.f32 v25, v35;
	v41 =	vmin.f32 v39, v40;
	v52 =	vmin.f32 v50, v51  }
0x4f: {  	v23 =	vmax.f32 v50, v51;
	v53 =	vmin.f32 v20, v16;
	v16 =	vmax.f32 v20, v16  }
0x50: {  	v37 =	vmax.f32 v36, v29;
	v27 =	vmin.f32 v36, v29;
	v55 =	vmax.f32 v46, v52  }
0x51: {  	v22 =	vmin.f32 v46, v52;
	v56 =	vmax.f32 v19, v23;
	v23 =	vmin.f32 v19, v23  }
0x52: {  	v57 =	vmax.f32 v47, v53;
	v21 =	vmin.f32 v47, v53;
	v58 =	vmax.f32 v17, v16  }
0x53: {  	v28 =	vmin.f32 v17, v16;
	v54 =	vmax.f32 v44, v34;
	v59 =	vmax.f32 v55, v57  }
0x54: {  	v19 =	vmin.f32 v55, v57;
	v60 =	vmax.f32 v56, v58;
	v24 =	vmin.f32 v56, v58  }
0x55: {  	[tilespmem:$0x1FFE0] =	vst v62;
	v61 =	vmax.f32 v22, v21;
	v33 =	vmin.f32 v22, v21;
	v62 =	vmax.f32 v23, v28  }
0x56: {  	v23 =	vmin.f32 v23, v28;
	v28 =	vmax.f32 v32, v63;
	v16 =	vmax.f32 v59, v60  }
0x57: {  	v17 =	vmin.f32 v59, v60;
	v18 =	vmax.f32 v19, v24;
	v19 =	vmin.f32 v19, v24  }
0x58: {  	v20 =	vmax.f32 v61, v62;
	v21 =	vmin.f32 v61, v62;
	v22 =	vmax.f32 v33, v23  }
0x59: {  	v23 =	vmin.f32 v33, v23;
	v24 =	vmin.f32 v0, v1;
	v32 =	vmin.f32 v30, v28  }
0x5a: {  	v28 =	vmax.f32 v30, v28;
	v33 =	vmin.f32 v44, v34;
	v38 =	vmax.f32 v24, v25  }
0x5b: {  	v24 =	vmin.f32 v24, v25;
	v25 =	vmax.f32 v39, v40;
	v42 =	vmin.f32 v41, v32  }
0x5c: {  	v31 =	vmax.f32 v41, v32;
	v43 =	vmin.f32 v25, v28;
	v25 =	vmax.f32 v25, v28  }
0x5d: {  	v35 =	vld [tilespmem:s15+$0x2100];
	v45 =	vmax.f32 v37, v42;
	v30 =	vmin.f32 v37, v42;
	v46 =	vmax.f32 v27, v31  }
0x5e: {  	v53 =	vld [tilespmem:s15+$0x2380];
	v31 =	vmin.f32 v27, v31;
	v47 =	vmax.f32 v38, v43;
	v29 =	vmin.f32 v38, v43  }
0x5f: {  	v1 =	vld [tilespmem:s15+$0x2800];
	v48 =	vmax.f32 v24, v25;
	v36 =	vmin.f32 v24, v25;
	v49 =	vmax.f32 v45, v47  }
0x60: {  	v40 =	vld [tilespmem:s15+$0x2300];
	v27 =	vmin.f32 v45, v47;
	v50 =	vmax.f32 v46, v48;
	v32 =	vmin.f32 v46, v48  }
0x61: {  	v37 =	vld [tilespmem:s15+$0x2180];
	v51 =	vmax.f32 v30, v29;
	v41 =	vmin.f32 v30, v29;
	v52 =	vmax.f32 v31, v36  }
0x62: {  	v42 =	vld [tilespmem:s15+$0x2880];
	v31 =	vmin.f32 v31, v36;
	v24 =	vmax.f32 v49, v50;
	v25 =	vmin.f32 v49, v50  }
0x63: {  	v26 =	vmax.f32 v27, v32;
	v27 =	vmin.f32 v27, v32;
	v28 =	vmax.f32 v51, v52  }
0x64: {  	v39 =	vld [tilespmem:s15+$0x2280];
	v29 =	vmin.f32 v51, v52;
	v30 =	vmax.f32 v41, v31;
	v31 =	vmin.f32 v41, v31  }
0x65: {  	v38 =	vld [tilespmem:s15+$0x2200];
	v61 =	vmin.f32 v40, v53;
	v36 =	vmax.f32 v40, v53;
	v30 =	vmax.f32 v17, v30  }
0x66: {  	v21 =	vmax.f32 v21, v26;
	v22 =	vmax.f32 v22, v25;
	v23 =	vmax.f32 v23, v24  }
0x67: {  	v43 =	vld [tilespmem:s15+$0x2900];
	v55 =	vmin.f32 v35, v37;
	v56 =	vmax.f32 v35, v37;
	v41 =	vmin.f32 v1, v42  }
0x68: {  	v45 =	vld [tilespmem:s15+$0x2980];
	v25 =	vmax.f32 v30, v21;
	v11 =	vmin.f32 v30, v21;
	v57 =	vmax.f32 v54, v55  }
0x69: {  	v32 =	vmin.f32 v54, v55;
	v37 =	vmax.f32 v33, v56;
	v33 =	vmin.f32 v33, v56  }
0x6a: {  	v60 =	vmax.f32 v38, v39;
	v38 =	vmin.f32 v38, v39;
	v58 =	vmax.f32 v57, v37  }
0x6b: {  	v35 =	vmin.f32 v57, v37;
	v59 =	vmax.f32 v32, v33;
	v32 =	vmin.f32 v32, v33  }
0x6c: {  	v62 =	vmin.f32 v60, v61;
	v33 =	vmax.f32 v60, v61;
	v40 =	vmin.f32 v38, v36  }
0x6d: {  	v36 =	vmax.f32 v38, v36;
	v60 =	vmax.f32 v1, v42;
	v61 =	vmin.f32 v43, v45  }
0x6e: {  	v63 =	vmin.f32 v62, v40;
	v39 =	vmax.f32 v62, v40;
	v0 =	vmin.f32 v33, v36  }
0x6f: {  	v33 =	vmax.f32 v33, v36;
	v62 =	vmax.f32 v43, v45;
	v51 =	vmax.f32 v58, v63  }
0x70: {  	v46 =	vld [tilespmem:s15+$0x2A00];
	v38 =	vmin.f32 v58, v63;
	v52 =	vmax.f32 v35, v39;
	v39 =	vmin.f32 v35, v39  }
0x71: {  	v47 =	vld [tilespmem:s15+$0x2A80];
	v53 =	vmax.f32 v59, v0;
	v37 =	vmin.f32 v59, v0;
	v54 =	vmax.f32 v32, v33  }
0x72: {  	v44 =	vmin.f32 v32, v33;
	v63 =	vmax.f32 v60, v61;
	v45 =	vmax.f32 v41, v62  }
0x73: {  	v41 =	vmin.f32 v41, v62;
	v55 =	vmax.f32 v51, v53;
	v35 =	vmin.f32 v51, v53  }
0x74: {  	v48 =	vld [tilespmem:s15+$0x2B00];
	v56 =	vmax.f32 v52, v54;
	v40 =	vmin.f32 v52, v54;
	v57 =	vmax.f32 v38, v37  }
0x75: {  	v59 =	vld [tilespmem:s15+$0x2B80];
	v49 =	vmin.f32 v38, v37;
	v58 =	vmax.f32 v39, v44;
	v39 =	vmin.f32 v39, v44  }
0x76: {  	v0 =	vmax.f32 v63, v45;
	v43 =	vmin.f32 v63, v45;
	v54 =	vmax.f32 v46, v47  }
0x77: {  	v46 =	vmin.f32 v46, v47;
	v32 =	vmax.f32 v55, v56;
	v33 =	vmin.f32 v55, v56  }
0x78: {  	v34 =	vmax.f32 v35, v40;
	v35 =	vmin.f32 v35, v40;
	v36 =	vmax.f32 v57, v58  }
0x79: {  	v37 =	vmin.f32 v57, v58;
	v38 =	vmax.f32 v49, v39;
	v40 =	vmin.f32 v60, v61  }
0x7a: {  	v39 =	vmin.f32 v49, v39;
	v1 =	vmax.f32 v40, v41;
	v55 =	vmin.f32 v48, v59  }
0x7b: {  	v40 =	vmin.f32 v40, v41;
	v44 =	vmax.f32 v48, v59;
	v56 =	vmin.f32 v54, v55  }
0x7c: {  	v50 =	vld [tilespmem:s15+$0x3080];
	v41 =	vmax.f32 v54, v55;
	v48 =	vmin.f32 v46, v44;
	v44 =	vmax.f32 v46, v44  }
0x7d: {  	v51 =	vld [tilespmem:s15+$0x3100];
	v57 =	vmin.f32 v56, v48;
	v47 =	vmax.f32 v56, v48;
	v58 =	vmin.f32 v41, v44  }
0x7e: {  	v49 =	vld [tilespmem:s15+$0x3000];
	v41 =	vmax.f32 v41, v44;
	v59 =	vmax.f32 v0, v57;
	v46 =	vmin.f32 v0, v57  }
0x7f: {  	v53 =	vld [tilespmem:s15+$0x3180];
	v60 =	vmax.f32 v43, v47;
	v47 =	vmin.f32 v43, v47;
	v61 =	vmax.f32 v1, v58  }
0x80: {  	v45 =	vmin.f32 v1, v58;
	v62 =	vmax.f32 v40, v41;
	v52 =	vmin.f32 v40, v41  }
0x81: {  	v63 =	vmax.f32 v59, v61;
	v43 =	vmin.f32 v59, v61;
	v0 =	vmax.f32 v60, v62  }
0x82: {  	v48 =	vmin.f32 v60, v62;
	v1 =	vmax.f32 v46, v45;
	v57 =	vmin.f32 v46, v45  }
0x83: {  	v54 =	vld [tilespmem:s15+$0x3200];
	v60 =	vmax.f32 v47, v52;
	v47 =	vmin.f32 v47, v52;
	v61 =	vmax.f32 v49, v50  }
0x84: {  	v55 =	vld [tilespmem:s15+$0x3280];
	v62 =	vmin.f32 v51, v53;
	v49 =	vmin.f32 v49, v50;
	v40 =	vmax.f32 v63, v0  }
0x85: {  	v41 =	vmin.f32 v63, v0;
	v42 =	vmax.f32 v43, v48;
	v43 =	vmin.f32 v43, v48  }
0x86: {  	v56 =	vld [tilespmem:s15+$0x3300];
	v44 =	vmax.f32 v1, v60;
	v45 =	vmin.f32 v1, v60;
	v46 =	vmax.f32 v57, v47  }
0x87: {  	v52 =	vld [tilespmem:s15+$0x3380];
	v47 =	vmin.f32 v57, v47;
	v63 =	vmax.f32 v51, v53;
	v0 =	vmax.f32 v61, v62  }
0x88: {  	v48 =	vmin.f32 v61, v62;
	v53 =	vmax.f32 v49, v63;
	v49 =	vmin.f32 v49, v63  }
0x89: {  	v60 =	vmax.f32 v54, v55;
	v54 =	vmin.f32 v54, v55;
	v32 =	vmax.f32 v32, v47  }
0x8a: {  	v33 =	vmax.f32 v33, v46;
	v34 =	vmax.f32 v34, v45;
	v35 =	vmax.f32 v35, v44  }
0x8b: {  	v1 =	vmax.f32 v0, v53;
	v51 =	vmin.f32 v0, v53;
	v53 =	vmax.f32 v48, v49  }
0x8c: {  	v48 =	vmin.f32 v48, v49;
	v61 =	vmin.f32 v56, v52;
	v52 =	vmax.f32 v56, v52  }
0x8d: {  	v62 =	vmin.f32 v60, v61;
	v49 =	vmax.f32 v60, v61;
	v56 =	vmin.f32 v54, v52  }
0x8e: {  	v52 =	vmax.f32 v54, v52;
	v63 =	vmin.f32 v62, v56;
	v55 =	vmax.f32 v62, v56  }
0x8f: {  	v0 =	vmin.f32 v49, v52;
	v49 =	vmax.f32 v49, v52;
	v52 =	vmax.f32 v1, v63  }
0x90: {  	v58 =	vld [tilespmem:s15+$0x3880];
	v54 =	vmin.f32 v1, v63;
	v50 =	vmax.f32 v51, v55;
	v55 =	vmin.f32 v51, v55  }
0x91: {  	v59 =	vld [tilespmem:s15+$0x3900];
	v1 =	vmax.f32 v53, v0;
	v53 =	vmin.f32 v53, v0;
	v56 =	vmax.f32 v48, v49  }
0x92: {  	v57 =	vld [tilespmem:s15+$0x3800];
	v60 =	vmin.f32 v48, v49;
	v0 =	vmax.f32 v52, v1;
	v51 =	vmin.f32 v52, v1  }
0x93: {  	v61 =	vld [tilespmem:s15+$0x3980];
	v1 =	vmax.f32 v50, v56;
	v56 =	vmin.f32 v50, v56;
	v52 =	vmin.f32 v54, v53  }
0x94: {  	v62 =	vld [tilespmem:s15+$0x3A00];
	v48 =	vmax.f32 v0, v1;
	v49 =	vmin.f32 v0, v1;
	v50 =	vmax.f32 v51, v56  }
0x95: {  	v63 =	vld [tilespmem:s15+$0x3A80];
	v51 =	vmin.f32 v51, v56;
	v56 =	vmax.f32 v54, v53;
	v0 =	vmax.f32 v55, v60  }
0x96: {  	v1 =	vld [tilespmem:s15+$0x3B00];
	v55 =	vmin.f32 v55, v60;
	v60 =	vmax.f32 v56, v0;
	v53 =	vmin.f32 v56, v0  }
0x97: {  	v56 =	vld [tilespmem:s15+$0x3B80];
	v54 =	vmax.f32 v52, v55;
	v55 =	vmin.f32 v52, v55;
	v52 =	vmax.f32 v57, v58  }
0x98: {  	v0 =	vmin.f32 v59, v61;
	v57 =	vmin.f32 v57, v58;
	v58 =	vmax.f32 v59, v61  }
0x99: {  	v59 =	vmax.f32 v52, v0;
	v0 =	vmin.f32 v52, v0;
	v61 =	vmax.f32 v57, v58  }
0x9a: {  	v57 =	vmin.f32 v57, v58;
	v58 =	vmax.f32 v59, v61;
	v52 =	vmin.f32 v59, v61  }
0x9b: {  	v59 =	vmax.f32 v0, v57;
	v0 =	vmin.f32 v0, v57;
	v57 =	vmax.f32 v62, v63  }
0x9c: {  	v62 =	vmin.f32 v62, v63;
	v61 =	vmin.f32 v1, v56;
	v1 =	vmax.f32 v1, v56  }
0x9d: {  	v56 =	vmin.f32 v57, v61;
	v57 =	vmax.f32 v57, v61;
	v61 =	vmin.f32 v62, v1  }
0x9e: {  	v1 =	vmax.f32 v62, v1;
	v62 =	vmin.f32 v56, v61;
	v56 =	vmax.f32 v56, v61  }
0x9f: {  	v61 =	vmin.f32 v57, v1;
	v1 =	vmax.f32 v57, v1;
	v57 =	vmax.f32 v58, v62  }
0xa0: {  	v58 =	vmin.f32 v58, v62;
	v62 =	vmax.f32 v52, v56;
	v52 =	vmin.f32 v52, v56  }
0xa1: {  	v56 =	vmax.f32 v59, v61;
	v59 =	vmin.f32 v59, v61;
	v61 =	vmax.f32 v0, v1  }
0xa2: {  	v0 =	vmin.f32 v0, v1;
	v1 =	vmax.f32 v57, v56;
	v56 =	vmin.f32 v57, v56  }
0xa3: {  	v57 =	vmax.f32 v62, v61;
	v61 =	vmin.f32 v62, v61;
	v63 =	vmax.f32 v52, v0  }
0xa4: {  	v0 =	vmin.f32 v52, v0;
	v62 =	vmax.f32 v1, v57;
	v1 =	vmin.f32 v1, v57  }
0xa5: {  	v57 =	vmax.f32 v56, v61;
	v56 =	vmin.f32 v56, v61;
	v61 =	vmax.f32 v58, v59  }
0xa6: {  	v58 =	vmin.f32 v58, v59;
	v52 =	vmax.f32 v61, v63;
	v59 =	vmin.f32 v61, v63;
	v63 =	vld [tilespmem:$0x1FFE0]  }
0xa7: {  	v36 =	vmax.f32 v36, v43;
	v37 =	vmax.f32 v37, v42;
	v38 =	vmax.f32 v38, v41  }
0xa8: {  	v40 =	vmax.f32 v39, v40;
	v41 =	vmax.f32 v32, v36;
	v42 =	vmax.f32 v33, v37  }
0xa9: {  	v43 =	vmax.f32 v34, v38;
	v44 =	vmax.f32 v35, v40;
	v21 =	vmin.f32 v35, v40  }
0xaa: {  	v45 =	vmax.f32 v41, v43;
	v46 =	vmax.f32 v42, v44;
	v61 =	vmax.f32 v58, v0  }
0xab: {  	v0 =	vmin.f32 v58, v0;
	v58 =	vmax.f32 v2, v6;
	v15 =	vmax.f32 v63, v15;
	v63 =	vld [tilespmem:$0x1FFF0]  }
0xac: {  	v2 =	vmin.f32 v2, v6;
	v39 =	vmax.f32 v53, v57;
	v1 =	vmax.f32 v54, v1  }
0xad: {  	v40 =	vmax.f32 v55, v62;
	v0 =	vmax.f32 v48, v0;
	v13 =	vmax.f32 v15, v4  }
0xae: {  	v4 =	vmin.f32 v15, v4;
	v12 =	vmax.f32 v13, v58;
	v8 =	vmin.f32 v13, v58  }
0xaf: {  	v58 =	vmax.f32 v19, v28;
	v19 =	vmin.f32 v33, v37;
	v37 =	vmax.f32 v51, v52  }
0xb0: {  	v14 =	vmax.f32 v63, v14;
	v63 =	vmax.f32 v3, v7;
	v3 =	vmin.f32 v3, v7  }
0xb1: {  	v15 =	vmax.f32 v14, v5;
	v5 =	vmin.f32 v14, v5;
	v14 =	vmax.f32 v4, v2  }
0xb2: {  	v2 =	vmin.f32 v4, v2;
	v13 =	vmax.f32 v15, v63;
	v6 =	vmin.f32 v15, v63  }
0xb3: {  	v15 =	vmax.f32 v5, v3;
	v3 =	vmin.f32 v5, v3;
	v63 =	vmax.f32 v20, v27  }
0xb4: {  	v27 =	vmax.f32 v58, v23;
	v20 =	vmin.f32 v34, v38;
	v38 =	vmax.f32 v60, v56  }
0xb5: {  	v9 =	vmax.f32 v12, v13;
	v7 =	vmin.f32 v12, v13;
	v10 =	vmax.f32 v8, v6  }
0xb6: {  	v6 =	vmin.f32 v8, v6;
	v4 =	vmax.f32 v14, v15;
	v5 =	vmin.f32 v14, v15  }
0xb7: {  	v8 =	vmax.f32 v2, v3;
	v2 =	vmin.f32 v2, v3;
	v3 =	vmax.f32 v16, v31  }
0xb8: {  	v31 =	vmax.f32 v18, v29;
	v13 =	vmin.f32 v58, v23;
	v29 =	vmax.f32 v25, v27  }
0xb9: {  	v14 =	vmin.f32 v25, v27;
	v23 =	vmin.f32 v41, v43;
	v25 =	vmin.f32 v45, v46  }
0xba: {  	v58 =	vmax.f32 v19, v21;
	v19 =	vmin.f32 v19, v21;
	v41 =	vmax.f32 v0, v38  }
0xbb: {  	v0 =	vmin.f32 v0, v38;
	v24 =	vmax.f32 v3, v63;
	v3 =	vmin.f32 v3, v63  }
0xbc: {  	v26 =	vmax.f32 v31, v22;
	v12 =	vmin.f32 v31, v22;
	v31 =	vmax.f32 v11, v13  }
0xbd: {  	v11 =	vmin.f32 v11, v13;
	v22 =	vmin.f32 v42, v44;
	v63 =	vmax.f32 v49, v61  }
0xbe: {  	v44 =	vmax.f32 v37, v40;
	v28 =	vmax.f32 v24, v26;
	v15 =	vmin.f32 v24, v26  }
0xbf: {  	v30 =	vmax.f32 v3, v12;
	v3 =	vmin.f32 v3, v12;
	v24 =	vmax.f32 v45, v46  }
0xc0: {  	v26 =	vmax.f32 v23, v22;
	v22 =	vmin.f32 v23, v22;
	v42 =	vmax.f32 v63, v39  }
0xc1: {  	v16 =	vmax.f32 v28, v29;
	v17 =	vmin.f32 v28, v29;
	v18 =	vmax.f32 v15, v14  }
0xc2: {  	v14 =	vmin.f32 v15, v14;
	v13 =	vmax.f32 v30, v31;
	v12 =	vmin.f32 v30, v31  }
0xc3: {  	v15 =	vmax.f32 v3, v11;
	v3 =	vmin.f32 v3, v11;
	v11 =	vmin.f32 v32, v36  }
0xc4: {  	v36 =	vmax.f32 v50, v59;
	v28 =	vmin.f32 v37, v40;
	v46 =	vmax.f32 v42, v44  }
0xc5: {  	v27 =	vmin.f32 v42, v44;
	v47 =	vmax.f32 v11, v20;
	v11 =	vmin.f32 v11, v20  }
0xc6: {  	v43 =	vmax.f32 v36, v1;
	v1 =	vmin.f32 v36, v1;
	v55 =	vmax.f32 v9, v3  }
0xc7: {  	v56 =	vmax.f32 v7, v15;
	v57 =	vmax.f32 v10, v12;
	v6 =	vmax.f32 v6, v13  }
0xc8: {  	v4 =	vmax.f32 v4, v14;
	v5 =	vmax.f32 v5, v18;
	v8 =	vmax.f32 v8, v17  }
0xc9: {  	v2 =	vmax.f32 v2, v16;
	v21 =	vmax.f32 v47, v58;
	v20 =	vmin.f32 v47, v58  }
0xca: {  	v23 =	vmax.f32 v11, v19;
	v11 =	vmin.f32 v11, v19;
	v19 =	vmin.f32 v63, v39  }
0xcb: {  	v45 =	vmax.f32 v41, v43;
	v30 =	vmin.f32 v41, v43;
	v49 =	vmax.f32 v0, v1  }
0xcc: {  	v0 =	vmin.f32 v0, v1;
	v9 =	vmax.f32 v55, v4;
	v1 =	vmin.f32 v55, v4  }
0xcd: {  	v58 =	vmax.f32 v56, v5;
	v3 =	vmin.f32 v56, v5;
	v59 =	vmax.f32 v57, v8  }
0xce: {  	v7 =	vmin.f32 v57, v8;
	v60 =	vmax.f32 v6, v2;
	v2 =	vmin.f32 v6, v2  }
0xcf: {  	v47 =	vmax.f32 v45, v46;
	v31 =	vmin.f32 v45, v46;
	v48 =	vmax.f32 v30, v27  }
0xd0: {  	v27 =	vmin.f32 v30, v27;
	v50 =	vmax.f32 v19, v28;
	v51 =	vmin.f32 v19, v28  }
0xd1: {  	v61 =	vmax.f32 v9, v59;
	v62 =	vmax.f32 v58, v60;
	v5 =	vmin.f32 v9, v59  }
0xd2: {  	v4 =	vmin.f32 v58, v60;
	v33 =	vmax.f32 v1, v7;
	v1 =	vmin.f32 v1, v7  }
0xd3: {  	v34 =	vmax.f32 v3, v2;
	v2 =	vmin.f32 v3, v2;
	v52 =	vmax.f32 v49, v50  }
0xd4: {  	v53 =	vmin.f32 v49, v50;
	v54 =	vmax.f32 v0, v51;
	v0 =	vmin.f32 v0, v51  }
0xd5: {  	v63 =	vmax.f32 v61, v62;
	v6 =	vmin.f32 v61, v62;
	v9 =	vmax.f32 v5, v4  }
0xd6: {  	v4 =	vmin.f32 v5, v4;
	v35 =	vmax.f32 v33, v34;
	v5 =	vmin.f32 v33, v34  }
0xd7: {  	v36 =	vmax.f32 v1, v2;
	v1 =	vmin.f32 v1, v2;
	v40 =	vmax.f32 v21, v27  }
0xd8: {  	v41 =	vmax.f32 v20, v48;
	v42 =	vmax.f32 v23, v31;
	v11 =	vmax.f32 v11, v47  }
0xd9: {  	v0 =	vmax.f32 v24, v0;
	v37 =	vmax.f32 v25, v54;
	v38 =	vmax.f32 v26, v53  }
0xda: {  	v39 =	vmax.f32 v22, v52;
	v43 =	vmax.f32 v0, v40;
	v0 =	vmin.f32 v0, v40  }
0xdb: {  	v44 =	vmax.f32 v37, v41;
	v2 =	vmin.f32 v37, v41;
	v45 =	vmax.f32 v38, v42  }
0xdc: {  	v10 =	vmin.f32 v38, v42;
	v46 =	vmax.f32 v39, v11;
	v11 =	vmin.f32 v39, v11  }
0xdd: {  	v47 =	vmax.f32 v43, v45;
	v14 =	vmin.f32 v43, v45;
	v48 =	vmax.f32 v44, v46  }
0xde: {  	v13 =	vmin.f32 v44, v46;
	v51 =	vmax.f32 v0, v10;
	v0 =	vmin.f32 v0, v10  }
0xdf: {  	v52 =	vmax.f32 v2, v11;
	v2 =	vmin.f32 v2, v11;
	v49 =	vmax.f32 v47, v48  }
0xe0: {  	v12 =	vmin.f32 v47, v48;
	v50 =	vmax.f32 v14, v13;
	v13 =	vmin.f32 v14, v13  }
0xe1: {  	v53 =	vmax.f32 v51, v52;
	v54 =	vmax.f32 v0, v2;
	v0 =	vmin.f32 v0, v2  }
0xe2: {  	v55 =	vmin.f32 v51, v52;
	v0 =	vmax.f32 v63, v0;
	v6 =	vmax.f32 v6, v54  }
0xe3: {  	v2 =	vmax.f32 v9, v55;
	v4 =	vmax.f32 v4, v53;
	v3 =	vmax.f32 v35, v13  }
0xe4: {  	v5 =	vmax.f32 v5, v50;
	v7 =	vmax.f32 v36, v12;
	v1 =	vmax.f32 v1, v49  }
0xe5: {  	v8 =	vmax.f32 v0, v3;
	v0 =	vmin.f32 v0, v3;
	v56 =	vmax.f32 v6, v5  }
0xe6: {  	v5 =	vmin.f32 v6, v5;
	v57 =	vmax.f32 v2, v7;
	v58 =	vmax.f32 v4, v1  }
0xe7: {  	v2 =	vmin.f32 v2, v7;
	v59 =	vmax.f32 v8, v57;
	v60 =	vmax.f32 v56, v58  }
0xe8: {  	v1 =	vmin.f32 v4, v1;
	v61 =	vmin.f32 v8, v57;
	v62 =	vmax.f32 v59, v60  }
0xe9: {  	v3 =	vmin.f32 v56, v58;
	v7 =	vmin.f32 v59, v60;
	v63 =	vand.u32 $0xFFFFFFC0, v62  }
0xea: {  	v17 =	vmax.f32 v0, v2;
	v10 =	vand.u32 $0xFFFFFFC0, v7;
	v16 =	vsub.f32 v63, v63  }
0xeb: {  	v0 =	vmin.f32 v0, v2;
	v9 =	vmax.f32 v61, v3;
	v10 =	vsub.f32 v10, v63  }
0xec: {  	v19 =	vmax.f32 v5, v1;
	v18 =	vand.u32 $0xFFFFFFC0, v9;
	v11 =	vmul.f32 $1.442695020e+00, v16  }
0xed: {  	v3 =	vmin.f32 v61, v3;
	v2 =	vsub.f32 v18, v63;
	v10 =	vmul.f32 $1.442695020e+00, v10  }
0xee: {  	v20 =	vmax.f32 v17, v19;
	v21 =	vand.u32 $0xFFFFFFC0, v3;
	(erf) = vpow2.f32 v11  }
0xef: {  	v22 =	vsub.f32 v21, v63;
	v2 =	vmul.f32 $1.442695020e+00, v2;
	(erf) = vpow2.f32 v10  }
0xf0: {  	v1 =	vmin.f32 v5, v1;
	v4 =	vmin.f32 v17, v19;
	v23 =	vand.u32 $0xFFFFFFC0, v20  }
0xf1: {  	v5 =	vsub.f32 v23, v63;
	v24 =	vmul.f32 $1.442695020e+00, v22;
	(erf) = vpow2.f32 v2  }
0xf2: {  	v25 =	vmax.f32 v0, v1;
	v26 =	vand.u32 $0xFFFFFFC0, v4  }
0xf3: {  	v28 =	vsub.f32 v26, v63;
	v27 =	vmul.f32 $1.442695020e+00, v5;
	(erf) = vpow2.f32 v24  }
0xf4: {  	v0 =	vmin.f32 v0, v1;
	v29 =	vand.u32 $0xFFFFFFC0, v25  }
0xf5: {  	v1 =	vsub.f32 v29, v63;
	v30 =	vmul.f32 $1.442695020e+00, v28;
	(erf) = vpow2.f32 v27  }
0xf6: {  	v31 =	vand.u32 $0xFFFFFFC0, v0  }
0xf7: {  	v33 =	vsub.f32 v31, v63;
	v1 =	vmul.f32 $1.442695020e+00, v1;
	v32 =	vpop (erf);
	(erf) = vpow2.f32 v30  }
0xf8: {  	v34 =	vpop (erf)  }
0xf9: {  	v35 =	vmul.f32 $1.442695020e+00, v33;
	(erf) = vpow2.f32 v1;
	v36 =	vadd.f32 v34, v32  }
0xfa: {  	v37 =	vpop (erf)  }
0xfb: {  	(erf) = vpow2.f32 v35;
	v38 =	vadd.f32 v36, v37  }
0xfc: {  	v39 =	vpop (erf)  }
0xfd: {  	v1 =	vadd.f32 v38, v39  }
0xfe: {  	v40 =	vpop (erf)  }
0xff: {  	v1 =	vadd.f32 v1, v40  }
0x100: {  	v41 =	vpop (erf)  }
0x101: {  	v1 =	vadd.f32 v1, v41  }
0x102: {  	v42 =	vpop (erf)  }
0x103: {  	v1 =	vadd.f32 v1, v42  }
0x104: {  	v43 =	vpop (erf)  }
0x105: {  	v1 =	vadd.f32 v1, v43;
	_ =	sdelay $0x1  }
0x106: {  	(erf) = vrcp.f32 v1;
	_ =	sdelay $0x7  }
0x107: {  	v44 =	vand.u32 $0x3F, v62  }
0x108: {  	vm0 =	vlt.s32 v62, $0x0;
	v45 =	vxor.u32 $0x3F, v44;
	v1 =	vpop (erf)  }
0x109: {  	v6 =	vsel vm0, v44, v45;
	v11 =	vmul.f32 v1, v32  }
0x10a: {  	v46 =	vand.u32 $0x3F, v7;
	[tilespmem:s15+$0x4800] =	vst v6;
	v5 =	vmul.f32 v1, v34  }
0x10b: {  	vm9 =	vlt.s32 v7, $0x0;
	v47 =	vxor.u32 $0x3F, v46;
	[tilespmem:s15+$0x4000] =	vst v11  }
0x10c: {  	v48 =	vand.u32 $0x3F, v9;
	v6 =	vsel vm9, v46, v47;
	v49 =	vmul.f32 v1, v37;
	[tilespmem:s19+$0x4000] =	vst v5  }
0x10d: {  	vm10 =	vlt.s32 v9, $0x0;
	v50 =	vxor.u32 $0x3F, v48;
	[tilespmem:s19+$0x4800] =	vst v6  }
0x10e: {  	v51 =	vand.u32 $0x3F, v3;
	v2 =	vmul.f32 v1, v39;
	v5 =	vsel vm10, v48, v50;
	[tilespmem:s15+$0x4100] =	vst v49  }
0x10f: {  	vm11 =	vlt.s32 v3, $0x0;
	v52 =	vxor.u32 $0x3F, v51;
	[tilespmem:s15+$0x4900] =	vst v5  }
0x110: {  	v53 =	vand.u32 $0x3F, v20;
	v3 =	vsel vm11, v51, v52;
	v54 =	vmul.f32 v1, v40;
	[tilespmem:s18+$0x4000] =	vst v2  }
0x111: {  	vm12 =	vlt.s32 v20, $0x0;
	v55 =	vxor.u32 $0x3F, v53;
	[tilespmem:s18+$0x4800] =	vst v3  }
0x112: {  	v56 =	vand.u32 $0x3F, v4;
	v57 =	vmul.f32 v1, v41;
	v2 =	vsel vm12, v53, v55;
	[tilespmem:s15+$0x4200] =	vst v54  }
0x113: {  	vm13 =	vlt.s32 v4, $0x0;
	v58 =	vxor.u32 $0x3F, v56;
	[tilespmem:s15+$0x4A00] =	vst v2  }
0x114: {  	p0 =	sne.s32 s14, $0xF0;
	v59 =	vand.u32 $0x3F, v25;
	v60 =	vmul.f32 v1, v42;
	v2 =	vsel vm13, v56, v58;
	[tilespmem:s30+$0x4000] =	vst v57  }
.Ltmp0:
0x115: {  	vm14 =	vlt.s32 v25, $0x0;
	v61 =	vxor.u32 $0x3F, v59;
	[tilespmem:s30+$0x4800] =	vst v2;
	(pc) =	sbr.rel @p0 .LBB2_2-.Ltmp0, $4  }
0x116: {  	v62 =	vand.u32 $0x3F, v0;
	v1 =	vmul.f32 v1, v43;
	v2 =	vsel vm14, v59, v61;
	[tilespmem:s15+$0x4300] =	vst v60  }
0x117: {  	vm15 =	vlt.s32 v0, $0x0;
	v63 =	vxor.u32 $0x3F, v62;
	[tilespmem:s15+$0x4B00] =	vst v2  }
0x118: {  	v0 =	vsel vm15, v62, v63;
	[tilespmem:s16+$0x4000] =	vst v1  }
0x119: {  	s13 =	sadd.s32 $0x80, s13;
	s14 =	sadd.s32 $0x10, s14;
	[tilespmem:s16+$0x4800] =	vst v0  }
0x11a: {  	[hbm4b:s4+s2] =	stream.linear.scatter [tilespmem:s10], [sflag:$0x1], $0x800, $0x38;
	[tilespmem:$0x5000] =	vst v63  }
0x11b: {  	s12 =	sadd.s32 $0x1, s12;
	_ =	swait.ge [sflag:s9], $0x800  }
0x11c: {  	p0 =	sne.s32 s12, s6;
	[sflag:s9] =	ssyncset.done $0x0  }
.Ltmp1:
0x11d: {  	[sflag:s9] =	ssyncadd.s32 $0xFFFFF800;
	(pc) =	sbr.rel @p0 .LBB2_1-.Ltmp1, $4  }
0x11e: {  	[hbm4b:s5+s2] =	stream.linear.scatter [tilespmem:s11], [sflag:$0x1], $0x800, $0x38;
	[tilespmem:$0x5000] =	vst v63  }
0x11f: {  	_ =	swait.ge [sflag:s9], $0x800  }
0x120: {  	[sflag:s9] =	ssyncset.done $0x0  }
0x121: {  	[sflag:s9] =	ssyncadd.s32 $0xFFFFF800  }
0x122: {  	_ =	sfence.sel $0x180000  }
0x123: {  	[bflag:$0x0] =	sbarrier.arrive $0xFFFF  }
0x124: {  	p0 =	sne.s32 s1, $0x0;
	_ =	strace $0x90000047  }
0x125: {  	s0 =	sadd.s32 @!p0 $0x100000, s0;
	[bflag:$0x2] =	sbarrier.arrive $0xFFFF  }
0x126: {  	[sflag:s0] =	ssyncadd.tile.s32 @!p0 $0x1;
	_ =	shalt  }
.Lfunc_end2:
_tile_overlayer_lowered:
.L_overlay_start_2:
0x127: {  	(tag) =	ssettag $0x2  }
0x128: {  	s0 =	rddreg [dreg:$0x0];
	s2 =	stileid.u32  }
0x129: {  	s1 =	rddreg [dreg:$0x1];
	p0 =	sne.s32 s2, $0x0  }
0x12a: {  	s3 =	rddreg [dreg:$0x2];
	[bflag:$0x3] =	sbarrier.arrive $0xFFFF;
	s2 =	simm.s32 @!p0 $0x1C01  }
0x12b: {  	[timem:s3], [sflag:s2] =	dma.local @!p0 [hbm:s0], s1  }
0x12c: {  	s0 =	simm.s32 @!p0 $0x1  }
0x12d: {  	_ =	swait.ge @!p0 [sflag:s0], s1  }
0x12e: {  	s1 =	ssub.s32 @!p0 $0x0, s1;
	[sflag:s0] =	ssyncset.done @!p0 $0x0  }
0x12f: {  	[sflag:s0] =	ssyncadd.s32 @!p0 s1  }
0x130: {  	[bflag:$0x3] =	sbarrier.arrive $0xFFFF  }
0x131: {  	_ =	shalt  }

</sc_bundles>
